<compile_context>
chip_gen: v7x
topology: tpu7x:2x2x1
jax: 0.10.2.dev20260603
libtpu: 0.0.44.dev20260713+nightly
codegen_flags: <defaults>
</compile_context>

<pallas_src>
import jax
import jax.numpy as jnp
from jax import lax
from jax.experimental import pallas as pl
from jax.experimental.pallas import tpu as pltpu
from jax.experimental.pallas import tpu_sc as plsc

EPS_DIV = 1e-06
LANES = 16
NUM_WORKERS = 32


def _sc_recip_gather(scale_g, idx, g_pad):
    g = idx.shape[0]
    b_per_w = g_pad // NUM_WORKERS
    tail_base = (NUM_WORKERS - 1) * b_per_w
    tail_len = g - tail_base
    tail_out = ((tail_len + 127) // 128) * 128
    mesh = plsc.VectorSubcoreMesh(core_axis_name="c", subcore_axis_name="s")

    n_rows = b_per_w // 128
    tail_full_rows = tail_len // 128

    def body(scale_hbm, idx_hbm, out_hbm, idx_v, vals_v, out_v, sem_i, sem_g):
        nc = lax.axis_size("c")
        wid = lax.axis_index("s") * nc + lax.axis_index("c")
        is_tail = wid == NUM_WORKERS - 1
        base = wid * b_per_w

        @pl.when(~is_tail)
        def _():
            cps = [pltpu.async_copy(idx_hbm.at[pl.ds(base + j * 128, 128)],
                                    idx_v.at[j], sem_i)
                   for j in range(n_rows)]
            for cp in cps:
                cp.wait()

        @pl.when(is_tail)
        def _():
            rem = tail_len - tail_full_rows * 128
            cps = [pltpu.async_copy(idx_hbm.at[pl.ds(tail_base + j * 128, 128)],
                                    idx_v.at[j], sem_i)
                   for j in range(tail_full_rows)]
            cps.append(pltpu.async_copy(
                idx_hbm.at[pl.ds(tail_base + tail_full_rows * 128, rem)],
                idx_v.at[tail_full_rows, pl.ds(0, rem)], sem_i))
            for cp in cps:
                cp.wait()
            for j in range(tail_full_rows, n_rows):
                for v in range(128 // LANES):
                    off = v * LANES
                    iv = idx_v[j, pl.ds(off, LANES)]
                    idx_v[j, pl.ds(off, LANES)] = jnp.minimum(
                        jnp.maximum(iv, 0), g - 1)

        cps = [pltpu.async_copy(scale_hbm.at[idx_v.at[j]],
                                vals_v.at[pl.ds(j * 128, 128)], sem_g)
               for j in range(n_rows)]
        for cp in cps:
            cp.wait()

        for i in range(b_per_w // LANES):
            off = i * LANES
            v = vals_v[pl.ds(off, LANES)]
            out_v[pl.ds(off, LANES)] = 1.0 / (v + EPS_DIV)

        @pl.when(~is_tail)
        def _():
            pltpu.sync_copy(out_v.at[pl.ds(0, b_per_w)],
                            out_hbm.at[0, pl.ds(base, b_per_w)])

        @pl.when(is_tail)
        def _():
            pltpu.sync_copy(out_v.at[pl.ds(0, tail_out)],
                            out_hbm.at[0, pl.ds(tail_base, tail_out)])

    fn = pl.kernel(
        body,
        out_type=jax.ShapeDtypeStruct((1, g_pad), jnp.float32),
        mesh=mesh,
        compiler_params=pltpu.CompilerParams(needs_layout_passes=False),
        scratch_types=[
            pltpu.VMEM((n_rows, 128), jnp.int32),
            pltpu.VMEM((b_per_w,), jnp.float32),
            pltpu.VMEM((b_per_w,), jnp.float32),
            pltpu.SemaphoreType.DMA,
            pltpu.SemaphoreType.DMA,
        ],
    )
    return fn(scale_g, idx)


def _tc_scale_mul(x_ng, recip_row, block_rows):
    n, g = x_ng.shape
    g_pad = recip_row.shape[1]

    def body(x_ref, r_ref, o_ref):
        o_ref[...] = x_ref[...] * r_ref[...][:, :g]

    return pl.pallas_call(
        body,
        grid=(pl.cdiv(n, block_rows),),
        in_specs=[
            pl.BlockSpec((block_rows, g), lambda i: (i, 0)),
            pl.BlockSpec((1, g_pad), lambda i: (0, 0)),
        ],
        out_specs=pl.BlockSpec((block_rows, g), lambda i: (i, 0)),
        out_shape=jax.ShapeDtypeStruct((n, g), jnp.float32),
        compiler_params=pltpu.CompilerParams(vmem_limit_bytes=128 * 1024 * 1024),
    )(x_ng, recip_row)


@jax.jit
def kernel(x_ng, scale_g, idx):
    n, g = x_ng.shape
    chunk = NUM_WORKERS * LANES
    g_pad = ((g + chunk - 1) // chunk) * chunk
    recip_row = _sc_recip_gather(scale_g, idx, g_pad)
    return _tc_scale_mul(x_ng, recip_row, block_rows=112)

# --- scband reference (transcript-rebuilt; emitter-appended) ---
"""Pipeline reference for scband-divide-by-scale-57964878627202 (READ-ONLY COPY).

The authoritative reference and input builder live on the scoring server;
editing this copy changes nothing except your own understanding.
"""

import jax, jax.numpy as jnp
import numpy as np

EPS = 1e-06
N, G = 1024, 36601

def setup_inputs(seed: int = 0) -> dict:
    key = jax.random.key(seed)
    k1, k2, k3 = jax.random.split(key, 3)
    # Gene counts (non-negative, like normalized single-cell counts)
    x_ng = jax.random.uniform(k1, (N, G), dtype=jnp.float32) * 10.0
    # Per-gene scale buffer (registered buffer in the torch module); keep > 0
    scale_g = jax.random.uniform(k2, (G,), dtype=jnp.float32) + 0.5
    # idx models self._get_indices(var_names_g): mapping from input gene order
    # to the schema order of scale_g (the reordered var_names path).
    idx = jax.random.randint(k3, (G,), 0, G, dtype=jnp.int32)
    return {"x_ng": x_ng, "scale_g": scale_g, "idx": idx}

def reference(x_ng, scale_g, idx):
    # Faithful to the var_names_g != self.var_names_g branch:
    #   scale_g = self.scale_g[idx]  (gather / embedding-style lookup)
    #   x_ng = x_ng / (scale_g + eps)
    scale = jnp.take(scale_g, idx, axis=0)
    out = x_ng / (scale + EPS)
    return out

if __name__ == "__main__":
    import jax
    _d = setup_inputs()
    print(jax.jit(kernel)(*tuple(_d.values())))

</pallas_src>

<mosaic_0001>
#map = affine_map<(d0, d1) -> (0)>
#map1 = affine_map<(d0, d1) -> (0, 0)>
module attributes {stable_mosaic.version = 14 : i64} {
  func.func @body(%arg0: i32, %arg1: i32, %arg2: memref<36601xf32, #tpu.memory_space<hbm>>, %arg3: memref<36601xi32, #tpu.memory_space<hbm>>, %arg4: memref<1x36864xf32, #tpu.memory_space<hbm>>, %arg5: memref<9x128xi32, #tpu.memory_space<vmem>>, %arg6: memref<1152xf32, #tpu.memory_space<vmem>>, %arg7: memref<1152xf32, #tpu.memory_space<vmem>>, %arg8: memref<!tpu.dma_semaphore, #tpu.memory_space<semaphore_mem>>, %arg9: memref<!tpu.dma_semaphore, #tpu.memory_space<semaphore_mem>>) attributes {dimension_semantics = [#tpu.dimension_semantics<core_parallel>, #tpu.dimension_semantics<subcore_parallel>], iteration_bounds = array<i64: 2, 16>, scalar_prefetch = 0 : i64, scratch_operands = 5 : i64, tpu.core_type = #tpu.core_type<sc_vector_subcore>, window_params = [{transform_indices = #map}, {transform_indices = #map}, {transform_indices = #map1}]} {
    %mul3A = arith.constant 2 : i32
    %mul3A_0 = arith.muli %arg1, %mul3A : i32
    %add3A = arith.addi %mul3A_0, %arg0 : i32
    %eq3A = arith.constant 31 : i32
    %eq3A_1 = arith.cmpi eq, %add3A, %eq3A : i32
    %mul3A_2 = arith.constant 1152 : i32
    %mul3A_3 = arith.muli %add3A, %mul3A_2 : i32
    %not3A = arith.constant true
    %not3A_4 = arith.xori %eq3A_1, %not3A : i1
    %convert_element_type3A = arith.extui %not3A_4 : i1 to i32
    %cond3A = arith.constant 0 : i32
    %cond3A_5 = arith.cmpi ne, %convert_element_type3A, %cond3A : i32
    scf.if %cond3A_5 {
      %add3A_876 = arith.constant 0 : i32
      %add3A_877 = arith.addi %mul3A_3, %add3A_876 : i32
      %dma_start3A_878 = arith.constant 0 : i32
      %dma_start3A_879 = arith.constant 0 : i32
      %dma_start3A_880 = tpu.memref_slice %arg5[%dma_start3A_878, %dma_start3A_879] : memref<9x128xi32, #tpu.memory_space<vmem>> -> memref<1x128xi32, #tpu.memory_space<vmem>>
      %dma_start3A_881 = tpu.memref_squeeze %dma_start3A_880 : memref<1x128xi32, #tpu.memory_space<vmem>> -> memref<128xi32, #tpu.memory_space<vmem>>
      %dma_start3A_882 = tpu.memref_slice %arg3[%add3A_877] : memref<36601xi32, #tpu.memory_space<hbm>> -> memref<128xi32, #tpu.memory_space<hbm>>
      %dma_start3A_883 = arith.constant 0 : i32
      %dma_start3A_884 = tpu.memref_slice %arg5[%dma_start3A_878, %dma_start3A_883] : memref<9x128xi32, #tpu.memory_space<vmem>> -> memref<1x128xi32, #tpu.memory_space<vmem>>
      %dma_start3A_885 = tpu.memref_squeeze %dma_start3A_884 : memref<1x128xi32, #tpu.memory_space<vmem>> -> memref<128xi32, #tpu.memory_space<vmem>>
      %dma_start3A_886 = tpu.memref_slice %arg3[%add3A_877] : memref<36601xi32, #tpu.memory_space<hbm>> -> memref<128xi32, #tpu.memory_space<hbm>>
      tpu.enqueue_dma source(%dma_start3A_886 : memref<128xi32, #tpu.memory_space<hbm>>) target(%dma_start3A_885 : memref<128xi32, #tpu.memory_space<vmem>>) target_semaphore(%arg8 : memref<!tpu.dma_semaphore, #tpu.memory_space<semaphore_mem>>)
      %add3A_887 = arith.constant 128 : i32
      %add3A_888 = arith.addi %mul3A_3, %add3A_887 : i32
      %dma_start3A_889 = arith.constant 1 : i32
      %dma_start3A_890 = arith.constant 0 : i32
      %dma_start3A_891 = tpu.memref_slice %arg5[%dma_start3A_889, %dma_start3A_890] : memref<9x128xi32, #tpu.memory_space<vmem>> -> memref<1x128xi32, #tpu.memory_space<vmem>>
      %dma_start3A_892 = tpu.memref_squeeze %dma_start3A_891 : memref<1x128xi32, #tpu.memory_space<vmem>> -> memref<128xi32, #tpu.memory_space<vmem>>
      %dma_start3A_893 = tpu.memref_slice %arg3[%add3A_888] : memref<36601xi32, #tpu.memory_space<hbm>> -> memref<128xi32, #tpu.memory_space<hbm>>
      %dma_start3A_894 = arith.constant 0 : i32
      %dma_start3A_895 = tpu.memref_slice %arg5[%dma_start3A_889, %dma_start3A_894] : memref<9x128xi32, #tpu.memory_space<vmem>> -> memref<1x128xi32, #tpu.memory_space<vmem>>
      %dma_start3A_896 = tpu.memref_squeeze %dma_start3A_895 : memref<1x128xi32, #tpu.memory_space<vmem>> -> memref<128xi32, #tpu.memory_space<vmem>>
      %dma_start3A_897 = tpu.memref_slice %arg3[%add3A_888] : memref<36601xi32, #tpu.memory_space<hbm>> -> memref<128xi32, #tpu.memory_space<hbm>>
      tpu.enqueue_dma source(%dma_start3A_897 : memref<128xi32, #tpu.memory_space<hbm>>) target(%dma_start3A_896 : memref<128xi32, #tpu.memory_space<vmem>>) target_semaphore(%arg8 : memref<!tpu.dma_semaphore, #tpu.memory_space<semaphore_mem>>)
      %add3A_898 = arith.constant 256 : i32
      %add3A_899 = arith.addi %mul3A_3, %add3A_898 : i32
      %dma_start3A_900 = arith.constant 2 : i32
      %dma_start3A_901 = arith.constant 0 : i32
      %dma_start3A_902 = tpu.memref_slice %arg5[%dma_start3A_900, %dma_start3A_901] : memref<9x128xi32, #tpu.memory_space<vmem>> -> memref<1x128xi32, #tpu.memory_space<vmem>>
      %dma_start3A_903 = tpu.memref_squeeze %dma_start3A_902 : memref<1x128xi32, #tpu.memory_space<vmem>> -> memref<128xi32, #tpu.memory_space<vmem>>
      %dma_start3A_904 = tpu.memref_slice %arg3[%add3A_899] : memref<36601xi32, #tpu.memory_space<hbm>> -> memref<128xi32, #tpu.memory_space<hbm>>
      %dma_start3A_905 = arith.constant 0 : i32
      %dma_start3A_906 = tpu.memref_slice %arg5[%dma_start3A_900, %dma_start3A_905] : memref<9x128xi32, #tpu.memory_space<vmem>> -> memref<1x128xi32, #tpu.memory_space<vmem>>
      %dma_start3A_907 = tpu.memref_squeeze %dma_start3A_906 : memref<1x128xi32, #tpu.memory_space<vmem>> -> memref<128xi32, #tpu.memory_space<vmem>>
      %dma_start3A_908 = tpu.memref_slice %arg3[%add3A_899] : memref<36601xi32, #tpu.memory_space<hbm>> -> memref<128xi32, #tpu.memory_space<hbm>>
      tpu.enqueue_dma source(%dma_start3A_908 : memref<128xi32, #tpu.memory_space<hbm>>) target(%dma_start3A_907 : memref<128xi32, #tpu.memory_space<vmem>>) target_semaphore(%arg8 : memref<!tpu.dma_semaphore, #tpu.memory_space<semaphore_mem>>)
      %add3A_909 = arith.constant 384 : i32
      %add3A_910 = arith.addi %mul3A_3, %add3A_909 : i32
      %dma_start3A_911 = arith.constant 3 : i32
      %dma_start3A_912 = arith.constant 0 : i32
      %dma_start3A_913 = tpu.memref_slice %arg5[%dma_start3A_911, %dma_start3A_912] : memref<9x128xi32, #tpu.memory_space<vmem>> -> memref<1x128xi32, #tpu.memory_space<vmem>>
      %dma_start3A_914 = tpu.memref_squeeze %dma_start3A_913 : memref<1x128xi32, #tpu.memory_space<vmem>> -> memref<128xi32, #tpu.memory_space<vmem>>
      %dma_start3A_915 = tpu.memref_slice %arg3[%add3A_910] : memref<36601xi32, #tpu.memory_space<hbm>> -> memref<128xi32, #tpu.memory_space<hbm>>
      %dma_start3A_916 = arith.constant 0 : i32
      %dma_start3A_917 = tpu.memref_slice %arg5[%dma_start3A_911, %dma_start3A_916] : memref<9x128xi32, #tpu.memory_space<vmem>> -> memref<1x128xi32, #tpu.memory_space<vmem>>
      %dma_start3A_918 = tpu.memref_squeeze %dma_start3A_917 : memref<1x128xi32, #tpu.memory_space<vmem>> -> memref<128xi32, #tpu.memory_space<vmem>>
      %dma_start3A_919 = tpu.memref_slice %arg3[%add3A_910] : memref<36601xi32, #tpu.memory_space<hbm>> -> memref<128xi32, #tpu.memory_space<hbm>>
      tpu.enqueue_dma source(%dma_start3A_919 : memref<128xi32, #tpu.memory_space<hbm>>) target(%dma_start3A_918 : memref<128xi32, #tpu.memory_space<vmem>>) target_semaphore(%arg8 : memref<!tpu.dma_semaphore, #tpu.memory_space<semaphore_mem>>)
      %add3A_920 = arith.constant 512 : i32
      %add3A_921 = arith.addi %mul3A_3, %add3A_920 : i32
      %dma_start3A_922 = arith.constant 4 : i32
      %dma_start3A_923 = arith.constant 0 : i32
      %dma_start3A_924 = tpu.memref_slice %arg5[%dma_start3A_922, %dma_start3A_923] : memref<9x128xi32, #tpu.memory_space<vmem>> -> memref<1x128xi32, #tpu.memory_space<vmem>>
      %dma_start3A_925 = tpu.memref_squeeze %dma_start3A_924 : memref<1x128xi32, #tpu.memory_space<vmem>> -> memref<128xi32, #tpu.memory_space<vmem>>
      %dma_start3A_926 = tpu.memref_slice %arg3[%add3A_921] : memref<36601xi32, #tpu.memory_space<hbm>> -> memref<128xi32, #tpu.memory_space<hbm>>
      %dma_start3A_927 = arith.constant 0 : i32
      %dma_start3A_928 = tpu.memref_slice %arg5[%dma_start3A_922, %dma_start3A_927] : memref<9x128xi32, #tpu.memory_space<vmem>> -> memref<1x128xi32, #tpu.memory_space<vmem>>
      %dma_start3A_929 = tpu.memref_squeeze %dma_start3A_928 : memref<1x128xi32, #tpu.memory_space<vmem>> -> memref<128xi32, #tpu.memory_space<vmem>>
      %dma_start3A_930 = tpu.memref_slice %arg3[%add3A_921] : memref<36601xi32, #tpu.memory_space<hbm>> -> memref<128xi32, #tpu.memory_space<hbm>>
      tpu.enqueue_dma source(%dma_start3A_930 : memref<128xi32, #tpu.memory_space<hbm>>) target(%dma_start3A_929 : memref<128xi32, #tpu.memory_space<vmem>>) target_semaphore(%arg8 : memref<!tpu.dma_semaphore, #tpu.memory_space<semaphore_mem>>)
      %add3A_931 = arith.constant 640 : i32
      %add3A_932 = arith.addi %mul3A_3, %add3A_931 : i32
      %dma_start3A_933 = arith.constant 5 : i32
      %dma_start3A_934 = arith.constant 0 : i32
      %dma_start3A_935 = tpu.memref_slice %arg5[%dma_start3A_933, %dma_start3A_934] : memref<9x128xi32, #tpu.memory_space<vmem>> -> memref<1x128xi32, #tpu.memory_space<vmem>>
      %dma_start3A_936 = tpu.memref_squeeze %dma_start3A_935 : memref<1x128xi32, #tpu.memory_space<vmem>> -> memref<128xi32, #tpu.memory_space<vmem>>
      %dma_start3A_937 = tpu.memref_slice %arg3[%add3A_932] : memref<36601xi32, #tpu.memory_space<hbm>> -> memref<128xi32, #tpu.memory_space<hbm>>
      %dma_start3A_938 = arith.constant 0 : i32
      %dma_start3A_939 = tpu.memref_slice %arg5[%dma_start3A_933, %dma_start3A_938] : memref<9x128xi32, #tpu.memory_space<vmem>> -> memref<1x128xi32, #tpu.memory_space<vmem>>
      %dma_start3A_940 = tpu.memref_squeeze %dma_start3A_939 : memref<1x128xi32, #tpu.memory_space<vmem>> -> memref<128xi32, #tpu.memory_space<vmem>>
      %dma_start3A_941 = tpu.memref_slice %arg3[%add3A_932] : memref<36601xi32, #tpu.memory_space<hbm>> -> memref<128xi32, #tpu.memory_space<hbm>>
      tpu.enqueue_dma source(%dma_start3A_941 : memref<128xi32, #tpu.memory_space<hbm>>) target(%dma_start3A_940 : memref<128xi32, #tpu.memory_space<vmem>>) target_semaphore(%arg8 : memref<!tpu.dma_semaphore, #tpu.memory_space<semaphore_mem>>)
      %add3A_942 = arith.constant 768 : i32
      %add3A_943 = arith.addi %mul3A_3, %add3A_942 : i32
      %dma_start3A_944 = arith.constant 6 : i32
      %dma_start3A_945 = arith.constant 0 : i32
      %dma_start3A_946 = tpu.memref_slice %arg5[%dma_start3A_944, %dma_start3A_945] : memref<9x128xi32, #tpu.memory_space<vmem>> -> memref<1x128xi32, #tpu.memory_space<vmem>>
      %dma_start3A_947 = tpu.memref_squeeze %dma_start3A_946 : memref<1x128xi32, #tpu.memory_space<vmem>> -> memref<128xi32, #tpu.memory_space<vmem>>
      %dma_start3A_948 = tpu.memref_slice %arg3[%add3A_943] : memref<36601xi32, #tpu.memory_space<hbm>> -> memref<128xi32, #tpu.memory_space<hbm>>
      %dma_start3A_949 = arith.constant 0 : i32
      %dma_start3A_950 = tpu.memref_slice %arg5[%dma_start3A_944, %dma_start3A_949] : memref<9x128xi32, #tpu.memory_space<vmem>> -> memref<1x128xi32, #tpu.memory_space<vmem>>
      %dma_start3A_951 = tpu.memref_squeeze %dma_start3A_950 : memref<1x128xi32, #tpu.memory_space<vmem>> -> memref<128xi32, #tpu.memory_space<vmem>>
      %dma_start3A_952 = tpu.memref_slice %arg3[%add3A_943] : memref<36601xi32, #tpu.memory_space<hbm>> -> memref<128xi32, #tpu.memory_space<hbm>>
      tpu.enqueue_dma source(%dma_start3A_952 : memref<128xi32, #tpu.memory_space<hbm>>) target(%dma_start3A_951 : memref<128xi32, #tpu.memory_space<vmem>>) target_semaphore(%arg8 : memref<!tpu.dma_semaphore, #tpu.memory_space<semaphore_mem>>)
      %add3A_953 = arith.constant 896 : i32
      %add3A_954 = arith.addi %mul3A_3, %add3A_953 : i32
      %dma_start3A_955 = arith.constant 7 : i32
      %dma_start3A_956 = arith.constant 0 : i32
      %dma_start3A_957 = tpu.memref_slice %arg5[%dma_start3A_955, %dma_start3A_956] : memref<9x128xi32, #tpu.memory_space<vmem>> -> memref<1x128xi32, #tpu.memory_space<vmem>>
      %dma_start3A_958 = tpu.memref_squeeze %dma_start3A_957 : memref<1x128xi32, #tpu.memory_space<vmem>> -> memref<128xi32, #tpu.memory_space<vmem>>
      %dma_start3A_959 = tpu.memref_slice %arg3[%add3A_954] : memref<36601xi32, #tpu.memory_space<hbm>> -> memref<128xi32, #tpu.memory_space<hbm>>
      %dma_start3A_960 = arith.constant 0 : i32
      %dma_start3A_961 = tpu.memref_slice %arg5[%dma_start3A_955, %dma_start3A_960] : memref<9x128xi32, #tpu.memory_space<vmem>> -> memref<1x128xi32, #tpu.memory_space<vmem>>
      %dma_start3A_962 = tpu.memref_squeeze %dma_start3A_961 : memref<1x128xi32, #tpu.memory_space<vmem>> -> memref<128xi32, #tpu.memory_space<vmem>>
      %dma_start3A_963 = tpu.memref_slice %arg3[%add3A_954] : memref<36601xi32, #tpu.memory_space<hbm>> -> memref<128xi32, #tpu.memory_space<hbm>>
      tpu.enqueue_dma source(%dma_start3A_963 : memref<128xi32, #tpu.memory_space<hbm>>) target(%dma_start3A_962 : memref<128xi32, #tpu.memory_space<vmem>>) target_semaphore(%arg8 : memref<!tpu.dma_semaphore, #tpu.memory_space<semaphore_mem>>)
      %add3A_964 = arith.constant 1024 : i32
      %add3A_965 = arith.addi %mul3A_3, %add3A_964 : i32
      %dma_start3A_966 = arith.constant 8 : i32
      %dma_start3A_967 = arith.constant 0 : i32
      %dma_start3A_968 = tpu.memref_slice %arg5[%dma_start3A_966, %dma_start3A_967] : memref<9x128xi32, #tpu.memory_space<vmem>> -> memref<1x128xi32, #tpu.memory_space<vmem>>
      %dma_start3A_969 = tpu.memref_squeeze %dma_start3A_968 : memref<1x128xi32, #tpu.memory_space<vmem>> -> memref<128xi32, #tpu.memory_space<vmem>>
      %dma_start3A_970 = tpu.memref_slice %arg3[%add3A_965] : memref<36601xi32, #tpu.memory_space<hbm>> -> memref<128xi32, #tpu.memory_space<hbm>>
      %dma_start3A_971 = arith.constant 0 : i32
      %dma_start3A_972 = tpu.memref_slice %arg5[%dma_start3A_966, %dma_start3A_971] : memref<9x128xi32, #tpu.memory_space<vmem>> -> memref<1x128xi32, #tpu.memory_space<vmem>>
      %dma_start3A_973 = tpu.memref_squeeze %dma_start3A_972 : memref<1x128xi32, #tpu.memory_space<vmem>> -> memref<128xi32, #tpu.memory_space<vmem>>
      %dma_start3A_974 = tpu.memref_slice %arg3[%add3A_965] : memref<36601xi32, #tpu.memory_space<hbm>> -> memref<128xi32, #tpu.memory_space<hbm>>
      tpu.enqueue_dma source(%dma_start3A_974 : memref<128xi32, #tpu.memory_space<hbm>>) target(%dma_start3A_973 : memref<128xi32, #tpu.memory_space<vmem>>) target_semaphore(%arg8 : memref<!tpu.dma_semaphore, #tpu.memory_space<semaphore_mem>>)
      %dma_wait3A_975 = arith.constant 0 : i32
      %dma_wait3A_976 = arith.constant 0 : i32
      %dma_wait3A_977 = tpu.memref_slice %arg5[%dma_wait3A_975, %dma_wait3A_976] : memref<9x128xi32, #tpu.memory_space<vmem>> -> memref<1x128xi32, #tpu.memory_space<vmem>>
      %dma_wait3A_978 = tpu.memref_squeeze %dma_wait3A_977 : memref<1x128xi32, #tpu.memory_space<vmem>> -> memref<128xi32, #tpu.memory_space<vmem>>
      %dma_wait3A_979 = tpu.memref_slice %arg3[%add3A_877] : memref<36601xi32, #tpu.memory_space<hbm>> -> memref<128xi32, #tpu.memory_space<hbm>>
      %dma_wait3A_980 = arith.constant 0 : i32
      %dma_wait3A_981 = tpu.memref_slice %arg5[%dma_wait3A_975, %dma_wait3A_980] : memref<9x128xi32, #tpu.memory_space<vmem>> -> memref<1x128xi32, #tpu.memory_space<vmem>>
      %dma_wait3A_982 = tpu.memref_squeeze %dma_wait3A_981 : memref<1x128xi32, #tpu.memory_space<vmem>> -> memref<128xi32, #tpu.memory_space<vmem>>
      %dma_wait3A_983 = tpu.memref_slice %arg3[%add3A_877] : memref<36601xi32, #tpu.memory_space<hbm>> -> memref<128xi32, #tpu.memory_space<hbm>>
      tpu.wait_dma2 semaphore(%arg8 : memref<!tpu.dma_semaphore, #tpu.memory_space<semaphore_mem>>) src(%dma_wait3A_983 : memref<128xi32, #tpu.memory_space<hbm>>) dst(%dma_wait3A_982 : memref<128xi32, #tpu.memory_space<vmem>>)
      %dma_wait3A_984 = arith.constant 1 : i32
      %dma_wait3A_985 = arith.constant 0 : i32
      %dma_wait3A_986 = tpu.memref_slice %arg5[%dma_wait3A_984, %dma_wait3A_985] : memref<9x128xi32, #tpu.memory_space<vmem>> -> memref<1x128xi32, #tpu.memory_space<vmem>>
      %dma_wait3A_987 = tpu.memref_squeeze %dma_wait3A_986 : memref<1x128xi32, #tpu.memory_space<vmem>> -> memref<128xi32, #tpu.memory_space<vmem>>
      %dma_wait3A_988 = tpu.memref_slice %arg3[%add3A_888] : memref<36601xi32, #tpu.memory_space<hbm>> -> memref<128xi32, #tpu.memory_space<hbm>>
      %dma_wait3A_989 = arith.constant 0 : i32
      %dma_wait3A_990 = tpu.memref_slice %arg5[%dma_wait3A_984, %dma_wait3A_989] : memref<9x128xi32, #tpu.memory_space<vmem>> -> memref<1x128xi32, #tpu.memory_space<vmem>>
      %dma_wait3A_991 = tpu.memref_squeeze %dma_wait3A_990 : memref<1x128xi32, #tpu.memory_space<vmem>> -> memref<128xi32, #tpu.memory_space<vmem>>
      %dma_wait3A_992 = tpu.memref_slice %arg3[%add3A_888] : memref<36601xi32, #tpu.memory_space<hbm>> -> memref<128xi32, #tpu.memory_space<hbm>>
      tpu.wait_dma2 semaphore(%arg8 : memref<!tpu.dma_semaphore, #tpu.memory_space<semaphore_mem>>) src(%dma_wait3A_992 : memref<128xi32, #tpu.memory_space<hbm>>) dst(%dma_wait3A_991 : memref<128xi32, #tpu.memory_space<vmem>>)
      %dma_wait3A_993 = arith.constant 2 : i32
      %dma_wait3A_994 = arith.constant 0 : i32
      %dma_wait3A_995 = tpu.memref_slice %arg5[%dma_wait3A_993, %dma_wait3A_994] : memref<9x128xi32, #tpu.memory_space<vmem>> -> memref<1x128xi32, #tpu.memory_space<vmem>>
      %dma_wait3A_996 = tpu.memref_squeeze %dma_wait3A_995 : memref<1x128xi32, #tpu.memory_space<vmem>> -> memref<128xi32, #tpu.memory_space<vmem>>
      %dma_wait3A_997 = tpu.memref_slice %arg3[%add3A_899] : memref<36601xi32, #tpu.memory_space<hbm>> -> memref<128xi32, #tpu.memory_space<hbm>>
      %dma_wait3A_998 = arith.constant 0 : i32
      %dma_wait3A_999 = tpu.memref_slice %arg5[%dma_wait3A_993, %dma_wait3A_998] : memref<9x128xi32, #tpu.memory_space<vmem>> -> memref<1x128xi32, #tpu.memory_space<vmem>>
      %dma_wait3A_1000 = tpu.memref_squeeze %dma_wait3A_999 : memref<1x128xi32, #tpu.memory_space<vmem>> -> memref<128xi32, #tpu.memory_space<vmem>>
      %dma_wait3A_1001 = tpu.memref_slice %arg3[%add3A_899] : memref<36601xi32, #tpu.memory_space<hbm>> -> memref<128xi32, #tpu.memory_space<hbm>>
      tpu.wait_dma2 semaphore(%arg8 : memref<!tpu.dma_semaphore, #tpu.memory_space<semaphore_mem>>) src(%dma_wait3A_1001 : memref<128xi32, #tpu.memory_space<hbm>>) dst(%dma_wait3A_1000 : memref<128xi32, #tpu.memory_space<vmem>>)
      %dma_wait3A_1002 = arith.constant 3 : i32
      %dma_wait3A_1003 = arith.constant 0 : i32
      %dma_wait3A_1004 = tpu.memref_slice %arg5[%dma_wait3A_1002, %dma_wait3A_1003] : memref<9x128xi32, #tpu.memory_space<vmem>> -> memref<1x128xi32, #tpu.memory_space<vmem>>
      %dma_wait3A_1005 = tpu.memref_squeeze %dma_wait3A_1004 : memref<1x128xi32, #tpu.memory_space<vmem>> -> memref<128xi32, #tpu.memory_space<vmem>>
      %dma_wait3A_1006 = tpu.memref_slice %arg3[%add3A_910] : memref<36601xi32, #tpu.memory_space<hbm>> -> memref<128xi32, #tpu.memory_space<hbm>>
      %dma_wait3A_1007 = arith.constant 0 : i32
      %dma_wait3A_1008 = tpu.memref_slice %arg5[%dma_wait3A_1002, %dma_wait3A_1007] : memref<9x128xi32, #tpu.memory_space<vmem>> -> memref<1x128xi32, #tpu.memory_space<vmem>>
      %dma_wait3A_1009 = tpu.memref_squeeze %dma_wait3A_1008 : memref<1x128xi32, #tpu.memory_space<vmem>> -> memref<128xi32, #tpu.memory_space<vmem>>
      %dma_wait3A_1010 = tpu.memref_slice %arg3[%add3A_910] : memref<36601xi32, #tpu.memory_space<hbm>> -> memref<128xi32, #tpu.memory_space<hbm>>
      tpu.wait_dma2 semaphore(%arg8 : memref<!tpu.dma_semaphore, #tpu.memory_space<semaphore_mem>>) src(%dma_wait3A_1010 : memref<128xi32, #tpu.memory_space<hbm>>) dst(%dma_wait3A_1009 : memref<128xi32, #tpu.memory_space<vmem>>)
      %dma_wait3A_1011 = arith.constant 4 : i32
      %dma_wait3A_1012 = arith.constant 0 : i32
      %dma_wait3A_1013 = tpu.memref_slice %arg5[%dma_wait3A_1011, %dma_wait3A_1012] : memref<9x128xi32, #tpu.memory_space<vmem>> -> memref<1x128xi32, #tpu.memory_space<vmem>>
      %dma_wait3A_1014 = tpu.memref_squeeze %dma_wait3A_1013 : memref<1x128xi32, #tpu.memory_space<vmem>> -> memref<128xi32, #tpu.memory_space<vmem>>
      %dma_wait3A_1015 = tpu.memref_slice %arg3[%add3A_921] : memref<36601xi32, #tpu.memory_space<hbm>> -> memref<128xi32, #tpu.memory_space<hbm>>
      %dma_wait3A_1016 = arith.constant 0 : i32
      %dma_wait3A_1017 = tpu.memref_slice %arg5[%dma_wait3A_1011, %dma_wait3A_1016] : memref<9x128xi32, #tpu.memory_space<vmem>> -> memref<1x128xi32, #tpu.memory_space<vmem>>
      %dma_wait3A_1018 = tpu.memref_squeeze %dma_wait3A_1017 : memref<1x128xi32, #tpu.memory_space<vmem>> -> memref<128xi32, #tpu.memory_space<vmem>>
      %dma_wait3A_1019 = tpu.memref_slice %arg3[%add3A_921] : memref<36601xi32, #tpu.memory_space<hbm>> -> memref<128xi32, #tpu.memory_space<hbm>>
      tpu.wait_dma2 semaphore(%arg8 : memref<!tpu.dma_semaphore, #tpu.memory_space<semaphore_mem>>) src(%dma_wait3A_1019 : memref<128xi32, #tpu.memory_space<hbm>>) dst(%dma_wait3A_1018 : memref<128xi32, #tpu.memory_space<vmem>>)
      %dma_wait3A_1020 = arith.constant 5 : i32
      %dma_wait3A_1021 = arith.constant 0 : i32
      %dma_wait3A_1022 = tpu.memref_slice %arg5[%dma_wait3A_1020, %dma_wait3A_1021] : memref<9x128xi32, #tpu.memory_space<vmem>> -> memref<1x128xi32, #tpu.memory_space<vmem>>
      %dma_wait3A_1023 = tpu.memref_squeeze %dma_wait3A_1022 : memref<1x128xi32, #tpu.memory_space<vmem>> -> memref<128xi32, #tpu.memory_space<vmem>>
      %dma_wait3A_1024 = tpu.memref_slice %arg3[%add3A_932] : memref<36601xi32, #tpu.memory_space<hbm>> -> memref<128xi32, #tpu.memory_space<hbm>>
      %dma_wait3A_1025 = arith.constant 0 : i32
      %dma_wait3A_1026 = tpu.memref_slice %arg5[%dma_wait3A_1020, %dma_wait3A_1025] : memref<9x128xi32, #tpu.memory_space<vmem>> -> memref<1x128xi32, #tpu.memory_space<vmem>>
      %dma_wait3A_1027 = tpu.memref_squeeze %dma_wait3A_1026 : memref<1x128xi32, #tpu.memory_space<vmem>> -> memref<128xi32, #tpu.memory_space<vmem>>
      %dma_wait3A_1028 = tpu.memref_slice %arg3[%add3A_932] : memref<36601xi32, #tpu.memory_space<hbm>> -> memref<128xi32, #tpu.memory_space<hbm>>
      tpu.wait_dma2 semaphore(%arg8 : memref<!tpu.dma_semaphore, #tpu.memory_space<semaphore_mem>>) src(%dma_wait3A_1028 : memref<128xi32, #tpu.memory_space<hbm>>) dst(%dma_wait3A_1027 : memref<128xi32, #tpu.memory_space<vmem>>)
      %dma_wait3A_1029 = arith.constant 6 : i32
      %dma_wait3A_1030 = arith.constant 0 : i32
      %dma_wait3A_1031 = tpu.memref_slice %arg5[%dma_wait3A_1029, %dma_wait3A_1030] : memref<9x128xi32, #tpu.memory_space<vmem>> -> memref<1x128xi32, #tpu.memory_space<vmem>>
      %dma_wait3A_1032 = tpu.memref_squeeze %dma_wait3A_1031 : memref<1x128xi32, #tpu.memory_space<vmem>> -> memref<128xi32, #tpu.memory_space<vmem>>
      %dma_wait3A_1033 = tpu.memref_slice %arg3[%add3A_943] : memref<36601xi32, #tpu.memory_space<hbm>> -> memref<128xi32, #tpu.memory_space<hbm>>
      %dma_wait3A_1034 = arith.constant 0 : i32
      %dma_wait3A_1035 = tpu.memref_slice %arg5[%dma_wait3A_1029, %dma_wait3A_1034] : memref<9x128xi32, #tpu.memory_space<vmem>> -> memref<1x128xi32, #tpu.memory_space<vmem>>
      %dma_wait3A_1036 = tpu.memref_squeeze %dma_wait3A_1035 : memref<1x128xi32, #tpu.memory_space<vmem>> -> memref<128xi32, #tpu.memory_space<vmem>>
      %dma_wait3A_1037 = tpu.memref_slice %arg3[%add3A_943] : memref<36601xi32, #tpu.memory_space<hbm>> -> memref<128xi32, #tpu.memory_space<hbm>>
      tpu.wait_dma2 semaphore(%arg8 : memref<!tpu.dma_semaphore, #tpu.memory_space<semaphore_mem>>) src(%dma_wait3A_1037 : memref<128xi32, #tpu.memory_space<hbm>>) dst(%dma_wait3A_1036 : memref<128xi32, #tpu.memory_space<vmem>>)
      %dma_wait3A_1038 = arith.constant 7 : i32
      %dma_wait3A_1039 = arith.constant 0 : i32
      %dma_wait3A_1040 = tpu.memref_slice %arg5[%dma_wait3A_1038, %dma_wait3A_1039] : memref<9x128xi32, #tpu.memory_space<vmem>> -> memref<1x128xi32, #tpu.memory_space<vmem>>
      %dma_wait3A_1041 = tpu.memref_squeeze %dma_wait3A_1040 : memref<1x128xi32, #tpu.memory_space<vmem>> -> memref<128xi32, #tpu.memory_space<vmem>>
      %dma_wait3A_1042 = tpu.memref_slice %arg3[%add3A_954] : memref<36601xi32, #tpu.memory_space<hbm>> -> memref<128xi32, #tpu.memory_space<hbm>>
      %dma_wait3A_1043 = arith.constant 0 : i32
      %dma_wait3A_1044 = tpu.memref_slice %arg5[%dma_wait3A_1038, %dma_wait3A_1043] : memref<9x128xi32, #tpu.memory_space<vmem>> -> memref<1x128xi32, #tpu.memory_space<vmem>>
      %dma_wait3A_1045 = tpu.memref_squeeze %dma_wait3A_1044 : memref<1x128xi32, #tpu.memory_space<vmem>> -> memref<128xi32, #tpu.memory_space<vmem>>
      %dma_wait3A_1046 = tpu.memref_slice %arg3[%add3A_954] : memref<36601xi32, #tpu.memory_space<hbm>> -> memref<128xi32, #tpu.memory_space<hbm>>
      tpu.wait_dma2 semaphore(%arg8 : memref<!tpu.dma_semaphore, #tpu.memory_space<semaphore_mem>>) src(%dma_wait3A_1046 : memref<128xi32, #tpu.memory_space<hbm>>) dst(%dma_wait3A_1045 : memref<128xi32, #tpu.memory_space<vmem>>)
      %dma_wait3A_1047 = arith.constant 8 : i32
      %dma_wait3A_1048 = arith.constant 0 : i32
      %dma_wait3A_1049 = tpu.memref_slice %arg5[%dma_wait3A_1047, %dma_wait3A_1048] : memref<9x128xi32, #tpu.memory_space<vmem>> -> memref<1x128xi32, #tpu.memory_space<vmem>>
      %dma_wait3A_1050 = tpu.memref_squeeze %dma_wait3A_1049 : memref<1x128xi32, #tpu.memory_space<vmem>> -> memref<128xi32, #tpu.memory_space<vmem>>
      %dma_wait3A_1051 = tpu.memref_slice %arg3[%add3A_965] : memref<36601xi32, #tpu.memory_space<hbm>> -> memref<128xi32, #tpu.memory_space<hbm>>
      %dma_wait3A_1052 = arith.constant 0 : i32
      %dma_wait3A_1053 = tpu.memref_slice %arg5[%dma_wait3A_1047, %dma_wait3A_1052] : memref<9x128xi32, #tpu.memory_space<vmem>> -> memref<1x128xi32, #tpu.memory_space<vmem>>
      %dma_wait3A_1054 = tpu.memref_squeeze %dma_wait3A_1053 : memref<1x128xi32, #tpu.memory_space<vmem>> -> memref<128xi32, #tpu.memory_space<vmem>>
      %dma_wait3A_1055 = tpu.memref_slice %arg3[%add3A_965] : memref<36601xi32, #tpu.memory_space<hbm>> -> memref<128xi32, #tpu.memory_space<hbm>>
      tpu.wait_dma2 semaphore(%arg8 : memref<!tpu.dma_semaphore, #tpu.memory_space<semaphore_mem>>) src(%dma_wait3A_1055 : memref<128xi32, #tpu.memory_space<hbm>>) dst(%dma_wait3A_1054 : memref<128xi32, #tpu.memory_space<vmem>>)
    } else {
    }
    %convert_element_type3A_6 = arith.extui %eq3A_1 : i1 to i32
    %cond3A_7 = arith.constant 0 : i32
    %cond3A_8 = arith.cmpi ne, %convert_element_type3A_6, %cond3A_7 : i32
    scf.if %cond3A_8 {
      %dma_start3A_876 = arith.constant 0 : i32
      %dma_start3A_877 = arith.constant 0 : i32
      %dma_start3A_878 = tpu.memref_slice %arg5[%dma_start3A_876, %dma_start3A_877] : memref<9x128xi32, #tpu.memory_space<vmem>> -> memref<1x128xi32, #tpu.memory_space<vmem>>
      %dma_start3A_879 = tpu.memref_squeeze %dma_start3A_878 : memref<1x128xi32, #tpu.memory_space<vmem>> -> memref<128xi32, #tpu.memory_space<vmem>>
      %dma_start3A_880 = arith.constant 35712 : i32
      %dma_start3A_881 = tpu.memref_slice %arg3[%dma_start3A_880] : memref<36601xi32, #tpu.memory_space<hbm>> -> memref<128xi32, #tpu.memory_space<hbm>>
      %dma_start3A_882 = arith.constant 0 : i32
      %dma_start3A_883 = tpu.memref_slice %arg5[%dma_start3A_876, %dma_start3A_882] : memref<9x128xi32, #tpu.memory_space<vmem>> -> memref<1x128xi32, #tpu.memory_space<vmem>>
      %dma_start3A_884 = tpu.memref_squeeze %dma_start3A_883 : memref<1x128xi32, #tpu.memory_space<vmem>> -> memref<128xi32, #tpu.memory_space<vmem>>
      %dma_start3A_885 = arith.constant 35712 : i32
      %dma_start3A_886 = tpu.memref_slice %arg3[%dma_start3A_885] : memref<36601xi32, #tpu.memory_space<hbm>> -> memref<128xi32, #tpu.memory_space<hbm>>
      tpu.enqueue_dma source(%dma_start3A_886 : memref<128xi32, #tpu.memory_space<hbm>>) target(%dma_start3A_884 : memref<128xi32, #tpu.memory_space<vmem>>) target_semaphore(%arg8 : memref<!tpu.dma_semaphore, #tpu.memory_space<semaphore_mem>>)
      %dma_start3A_887 = arith.constant 1 : i32
      %dma_start3A_888 = arith.constant 0 : i32
      %dma_start3A_889 = tpu.memref_slice %arg5[%dma_start3A_887, %dma_start3A_888] : memref<9x128xi32, #tpu.memory_space<vmem>> -> memref<1x128xi32, #tpu.memory_space<vmem>>
      %dma_start3A_890 = tpu.memref_squeeze %dma_start3A_889 : memref<1x128xi32, #tpu.memory_space<vmem>> -> memref<128xi32, #tpu.memory_space<vmem>>
      %dma_start3A_891 = arith.constant 35840 : i32
      %dma_start3A_892 = tpu.memref_slice %arg3[%dma_start3A_891] : memref<36601xi32, #tpu.memory_space<hbm>> -> memref<128xi32, #tpu.memory_space<hbm>>
      %dma_start3A_893 = arith.constant 0 : i32
      %dma_start3A_894 = tpu.memref_slice %arg5[%dma_start3A_887, %dma_start3A_893] : memref<9x128xi32, #tpu.memory_space<vmem>> -> memref<1x128xi32, #tpu.memory_space<vmem>>
      %dma_start3A_895 = tpu.memref_squeeze %dma_start3A_894 : memref<1x128xi32, #tpu.memory_space<vmem>> -> memref<128xi32, #tpu.memory_space<vmem>>
      %dma_start3A_896 = arith.constant 35840 : i32
      %dma_start3A_897 = tpu.memref_slice %arg3[%dma_start3A_896] : memref<36601xi32, #tpu.memory_space<hbm>> -> memref<128xi32, #tpu.memory_space<hbm>>
      tpu.enqueue_dma source(%dma_start3A_897 : memref<128xi32, #tpu.memory_space<hbm>>) target(%dma_start3A_895 : memref<128xi32, #tpu.memory_space<vmem>>) target_semaphore(%arg8 : memref<!tpu.dma_semaphore, #tpu.memory_space<semaphore_mem>>)
      %dma_start3A_898 = arith.constant 2 : i32
      %dma_start3A_899 = arith.constant 0 : i32
      %dma_start3A_900 = tpu.memref_slice %arg5[%dma_start3A_898, %dma_start3A_899] : memref<9x128xi32, #tpu.memory_space<vmem>> -> memref<1x128xi32, #tpu.memory_space<vmem>>
      %dma_start3A_901 = tpu.memref_squeeze %dma_start3A_900 : memref<1x128xi32, #tpu.memory_space<vmem>> -> memref<128xi32, #tpu.memory_space<vmem>>
      %dma_start3A_902 = arith.constant 35968 : i32
      %dma_start3A_903 = tpu.memref_slice %arg3[%dma_start3A_902] : memref<36601xi32, #tpu.memory_space<hbm>> -> memref<128xi32, #tpu.memory_space<hbm>>
      %dma_start3A_904 = arith.constant 0 : i32
      %dma_start3A_905 = tpu.memref_slice %arg5[%dma_start3A_898, %dma_start3A_904] : memref<9x128xi32, #tpu.memory_space<vmem>> -> memref<1x128xi32, #tpu.memory_space<vmem>>
      %dma_start3A_906 = tpu.memref_squeeze %dma_start3A_905 : memref<1x128xi32, #tpu.memory_space<vmem>> -> memref<128xi32, #tpu.memory_space<vmem>>
      %dma_start3A_907 = arith.constant 35968 : i32
      %dma_start3A_908 = tpu.memref_slice %arg3[%dma_start3A_907] : memref<36601xi32, #tpu.memory_space<hbm>> -> memref<128xi32, #tpu.memory_space<hbm>>
      tpu.enqueue_dma source(%dma_start3A_908 : memref<128xi32, #tpu.memory_space<hbm>>) target(%dma_start3A_906 : memref<128xi32, #tpu.memory_space<vmem>>) target_semaphore(%arg8 : memref<!tpu.dma_semaphore, #tpu.memory_space<semaphore_mem>>)
      %dma_start3A_909 = arith.constant 3 : i32
      %dma_start3A_910 = arith.constant 0 : i32
      %dma_start3A_911 = tpu.memref_slice %arg5[%dma_start3A_909, %dma_start3A_910] : memref<9x128xi32, #tpu.memory_space<vmem>> -> memref<1x128xi32, #tpu.memory_space<vmem>>
      %dma_start3A_912 = tpu.memref_squeeze %dma_start3A_911 : memref<1x128xi32, #tpu.memory_space<vmem>> -> memref<128xi32, #tpu.memory_space<vmem>>
      %dma_start3A_913 = arith.constant 36096 : i32
      %dma_start3A_914 = tpu.memref_slice %arg3[%dma_start3A_913] : memref<36601xi32, #tpu.memory_space<hbm>> -> memref<128xi32, #tpu.memory_space<hbm>>
      %dma_start3A_915 = arith.constant 0 : i32
      %dma_start3A_916 = tpu.memref_slice %arg5[%dma_start3A_909, %dma_start3A_915] : memref<9x128xi32, #tpu.memory_space<vmem>> -> memref<1x128xi32, #tpu.memory_space<vmem>>
      %dma_start3A_917 = tpu.memref_squeeze %dma_start3A_916 : memref<1x128xi32, #tpu.memory_space<vmem>> -> memref<128xi32, #tpu.memory_space<vmem>>
      %dma_start3A_918 = arith.constant 36096 : i32
      %dma_start3A_919 = tpu.memref_slice %arg3[%dma_start3A_918] : memref<36601xi32, #tpu.memory_space<hbm>> -> memref<128xi32, #tpu.memory_space<hbm>>
      tpu.enqueue_dma source(%dma_start3A_919 : memref<128xi32, #tpu.memory_space<hbm>>) target(%dma_start3A_917 : memref<128xi32, #tpu.memory_space<vmem>>) target_semaphore(%arg8 : memref<!tpu.dma_semaphore, #tpu.memory_space<semaphore_mem>>)
      %dma_start3A_920 = arith.constant 4 : i32
      %dma_start3A_921 = arith.constant 0 : i32
      %dma_start3A_922 = tpu.memref_slice %arg5[%dma_start3A_920, %dma_start3A_921] : memref<9x128xi32, #tpu.memory_space<vmem>> -> memref<1x128xi32, #tpu.memory_space<vmem>>
      %dma_start3A_923 = tpu.memref_squeeze %dma_start3A_922 : memref<1x128xi32, #tpu.memory_space<vmem>> -> memref<128xi32, #tpu.memory_space<vmem>>
      %dma_start3A_924 = arith.constant 36224 : i32
      %dma_start3A_925 = tpu.memref_slice %arg3[%dma_start3A_924] : memref<36601xi32, #tpu.memory_space<hbm>> -> memref<128xi32, #tpu.memory_space<hbm>>
      %dma_start3A_926 = arith.constant 0 : i32
      %dma_start3A_927 = tpu.memref_slice %arg5[%dma_start3A_920, %dma_start3A_926] : memref<9x128xi32, #tpu.memory_space<vmem>> -> memref<1x128xi32, #tpu.memory_space<vmem>>
      %dma_start3A_928 = tpu.memref_squeeze %dma_start3A_927 : memref<1x128xi32, #tpu.memory_space<vmem>> -> memref<128xi32, #tpu.memory_space<vmem>>
      %dma_start3A_929 = arith.constant 36224 : i32
      %dma_start3A_930 = tpu.memref_slice %arg3[%dma_start3A_929] : memref<36601xi32, #tpu.memory_space<hbm>> -> memref<128xi32, #tpu.memory_space<hbm>>
      tpu.enqueue_dma source(%dma_start3A_930 : memref<128xi32, #tpu.memory_space<hbm>>) target(%dma_start3A_928 : memref<128xi32, #tpu.memory_space<vmem>>) target_semaphore(%arg8 : memref<!tpu.dma_semaphore, #tpu.memory_space<semaphore_mem>>)
      %dma_start3A_931 = arith.constant 5 : i32
      %dma_start3A_932 = arith.constant 0 : i32
      %dma_start3A_933 = tpu.memref_slice %arg5[%dma_start3A_931, %dma_start3A_932] : memref<9x128xi32, #tpu.memory_space<vmem>> -> memref<1x128xi32, #tpu.memory_space<vmem>>
      %dma_start3A_934 = tpu.memref_squeeze %dma_start3A_933 : memref<1x128xi32, #tpu.memory_space<vmem>> -> memref<128xi32, #tpu.memory_space<vmem>>
      %dma_start3A_935 = arith.constant 36352 : i32
      %dma_start3A_936 = tpu.memref_slice %arg3[%dma_start3A_935] : memref<36601xi32, #tpu.memory_space<hbm>> -> memref<128xi32, #tpu.memory_space<hbm>>
      %dma_start3A_937 = arith.constant 0 : i32
      %dma_start3A_938 = tpu.memref_slice %arg5[%dma_start3A_931, %dma_start3A_937] : memref<9x128xi32, #tpu.memory_space<vmem>> -> memref<1x128xi32, #tpu.memory_space<vmem>>
      %dma_start3A_939 = tpu.memref_squeeze %dma_start3A_938 : memref<1x128xi32, #tpu.memory_space<vmem>> -> memref<128xi32, #tpu.memory_space<vmem>>
      %dma_start3A_940 = arith.constant 36352 : i32
      %dma_start3A_941 = tpu.memref_slice %arg3[%dma_start3A_940] : memref<36601xi32, #tpu.memory_space<hbm>> -> memref<128xi32, #tpu.memory_space<hbm>>
      tpu.enqueue_dma source(%dma_start3A_941 : memref<128xi32, #tpu.memory_space<hbm>>) target(%dma_start3A_939 : memref<128xi32, #tpu.memory_space<vmem>>) target_semaphore(%arg8 : memref<!tpu.dma_semaphore, #tpu.memory_space<semaphore_mem>>)
      %dma_start3A_942 = arith.constant 6 : i32
      %dma_start3A_943 = arith.constant 0 : i32
      %dma_start3A_944 = tpu.memref_slice %arg5[%dma_start3A_942, %dma_start3A_943] : memref<9x128xi32, #tpu.memory_space<vmem>> -> memref<1x121xi32, #tpu.memory_space<vmem>>
      %dma_start3A_945 = tpu.memref_squeeze %dma_start3A_944 : memref<1x121xi32, #tpu.memory_space<vmem>> -> memref<121xi32, #tpu.memory_space<vmem>>
      %dma_start3A_946 = arith.constant 36480 : i32
      %dma_start3A_947 = tpu.memref_slice %arg3[%dma_start3A_946] : memref<36601xi32, #tpu.memory_space<hbm>> -> memref<121xi32, #tpu.memory_space<hbm>>
      %dma_start3A_948 = arith.constant 0 : i32
      %dma_start3A_949 = tpu.memref_slice %arg5[%dma_start3A_942, %dma_start3A_948] : memref<9x128xi32, #tpu.memory_space<vmem>> -> memref<1x121xi32, #tpu.memory_space<vmem>>
      %dma_start3A_950 = tpu.memref_squeeze %dma_start3A_949 : memref<1x121xi32, #tpu.memory_space<vmem>> -> memref<121xi32, #tpu.memory_space<vmem>>
      %dma_start3A_951 = arith.constant 36480 : i32
      %dma_start3A_952 = tpu.memref_slice %arg3[%dma_start3A_951] : memref<36601xi32, #tpu.memory_space<hbm>> -> memref<121xi32, #tpu.memory_space<hbm>>
      tpu.enqueue_dma source(%dma_start3A_952 : memref<121xi32, #tpu.memory_space<hbm>>) target(%dma_start3A_950 : memref<121xi32, #tpu.memory_space<vmem>>) target_semaphore(%arg8 : memref<!tpu.dma_semaphore, #tpu.memory_space<semaphore_mem>>)
      %dma_wait3A_953 = arith.constant 0 : i32
      %dma_wait3A_954 = arith.constant 0 : i32
      %dma_wait3A_955 = tpu.memref_slice %arg5[%dma_wait3A_953, %dma_wait3A_954] : memref<9x128xi32, #tpu.memory_space<vmem>> -> memref<1x128xi32, #tpu.memory_space<vmem>>
      %dma_wait3A_956 = tpu.memref_squeeze %dma_wait3A_955 : memref<1x128xi32, #tpu.memory_space<vmem>> -> memref<128xi32, #tpu.memory_space<vmem>>
      %dma_wait3A_957 = arith.constant 35712 : i32
      %dma_wait3A_958 = tpu.memref_slice %arg3[%dma_wait3A_957] : memref<36601xi32, #tpu.memory_space<hbm>> -> memref<128xi32, #tpu.memory_space<hbm>>
      %dma_wait3A_959 = arith.constant 0 : i32
      %dma_wait3A_960 = tpu.memref_slice %arg5[%dma_wait3A_953, %dma_wait3A_959] : memref<9x128xi32, #tpu.memory_space<vmem>> -> memref<1x128xi32, #tpu.memory_space<vmem>>
      %dma_wait3A_961 = tpu.memref_squeeze %dma_wait3A_960 : memref<1x128xi32, #tpu.memory_space<vmem>> -> memref<128xi32, #tpu.memory_space<vmem>>
      %dma_wait3A_962 = arith.constant 35712 : i32
      %dma_wait3A_963 = tpu.memref_slice %arg3[%dma_wait3A_962] : memref<36601xi32, #tpu.memory_space<hbm>> -> memref<128xi32, #tpu.memory_space<hbm>>
      tpu.wait_dma2 semaphore(%arg8 : memref<!tpu.dma_semaphore, #tpu.memory_space<semaphore_mem>>) src(%dma_wait3A_963 : memref<128xi32, #tpu.memory_space<hbm>>) dst(%dma_wait3A_961 : memref<128xi32, #tpu.memory_space<vmem>>)
      %dma_wait3A_964 = arith.constant 1 : i32
      %dma_wait3A_965 = arith.constant 0 : i32
      %dma_wait3A_966 = tpu.memref_slice %arg5[%dma_wait3A_964, %dma_wait3A_965] : memref<9x128xi32, #tpu.memory_space<vmem>> -> memref<1x128xi32, #tpu.memory_space<vmem>>
      %dma_wait3A_967 = tpu.memref_squeeze %dma_wait3A_966 : memref<1x128xi32, #tpu.memory_space<vmem>> -> memref<128xi32, #tpu.memory_space<vmem>>
      %dma_wait3A_968 = arith.constant 35840 : i32
      %dma_wait3A_969 = tpu.memref_slice %arg3[%dma_wait3A_968] : memref<36601xi32, #tpu.memory_space<hbm>> -> memref<128xi32, #tpu.memory_space<hbm>>
      %dma_wait3A_970 = arith.constant 0 : i32
      %dma_wait3A_971 = tpu.memref_slice %arg5[%dma_wait3A_964, %dma_wait3A_970] : memref<9x128xi32, #tpu.memory_space<vmem>> -> memref<1x128xi32, #tpu.memory_space<vmem>>
      %dma_wait3A_972 = tpu.memref_squeeze %dma_wait3A_971 : memref<1x128xi32, #tpu.memory_space<vmem>> -> memref<128xi32, #tpu.memory_space<vmem>>
      %dma_wait3A_973 = arith.constant 35840 : i32
      %dma_wait3A_974 = tpu.memref_slice %arg3[%dma_wait3A_973] : memref<36601xi32, #tpu.memory_space<hbm>> -> memref<128xi32, #tpu.memory_space<hbm>>
      tpu.wait_dma2 semaphore(%arg8 : memref<!tpu.dma_semaphore, #tpu.memory_space<semaphore_mem>>) src(%dma_wait3A_974 : memref<128xi32, #tpu.memory_space<hbm>>) dst(%dma_wait3A_972 : memref<128xi32, #tpu.memory_space<vmem>>)
      %dma_wait3A_975 = arith.constant 2 : i32
      %dma_wait3A_976 = arith.constant 0 : i32
      %dma_wait3A_977 = tpu.memref_slice %arg5[%dma_wait3A_975, %dma_wait3A_976] : memref<9x128xi32, #tpu.memory_space<vmem>> -> memref<1x128xi32, #tpu.memory_space<vmem>>
      %dma_wait3A_978 = tpu.memref_squeeze %dma_wait3A_977 : memref<1x128xi32, #tpu.memory_space<vmem>> -> memref<128xi32, #tpu.memory_space<vmem>>
      %dma_wait3A_979 = arith.constant 35968 : i32
      %dma_wait3A_980 = tpu.memref_slice %arg3[%dma_wait3A_979] : memref<36601xi32, #tpu.memory_space<hbm>> -> memref<128xi32, #tpu.memory_space<hbm>>
      %dma_wait3A_981 = arith.constant 0 : i32
      %dma_wait3A_982 = tpu.memref_slice %arg5[%dma_wait3A_975, %dma_wait3A_981] : memref<9x128xi32, #tpu.memory_space<vmem>> -> memref<1x128xi32, #tpu.memory_space<vmem>>
      %dma_wait3A_983 = tpu.memref_squeeze %dma_wait3A_982 : memref<1x128xi32, #tpu.memory_space<vmem>> -> memref<128xi32, #tpu.memory_space<vmem>>
      %dma_wait3A_984 = arith.constant 35968 : i32
      %dma_wait3A_985 = tpu.memref_slice %arg3[%dma_wait3A_984] : memref<36601xi32, #tpu.memory_space<hbm>> -> memref<128xi32, #tpu.memory_space<hbm>>
      tpu.wait_dma2 semaphore(%arg8 : memref<!tpu.dma_semaphore, #tpu.memory_space<semaphore_mem>>) src(%dma_wait3A_985 : memref<128xi32, #tpu.memory_space<hbm>>) dst(%dma_wait3A_983 : memref<128xi32, #tpu.memory_space<vmem>>)
      %dma_wait3A_986 = arith.constant 3 : i32
      %dma_wait3A_987 = arith.constant 0 : i32
      %dma_wait3A_988 = tpu.memref_slice %arg5[%dma_wait3A_986, %dma_wait3A_987] : memref<9x128xi32, #tpu.memory_space<vmem>> -> memref<1x128xi32, #tpu.memory_space<vmem>>
      %dma_wait3A_989 = tpu.memref_squeeze %dma_wait3A_988 : memref<1x128xi32, #tpu.memory_space<vmem>> -> memref<128xi32, #tpu.memory_space<vmem>>
      %dma_wait3A_990 = arith.constant 36096 : i32
      %dma_wait3A_991 = tpu.memref_slice %arg3[%dma_wait3A_990] : memref<36601xi32, #tpu.memory_space<hbm>> -> memref<128xi32, #tpu.memory_space<hbm>>
      %dma_wait3A_992 = arith.constant 0 : i32
      %dma_wait3A_993 = tpu.memref_slice %arg5[%dma_wait3A_986, %dma_wait3A_992] : memref<9x128xi32, #tpu.memory_space<vmem>> -> memref<1x128xi32, #tpu.memory_space<vmem>>
      %dma_wait3A_994 = tpu.memref_squeeze %dma_wait3A_993 : memref<1x128xi32, #tpu.memory_space<vmem>> -> memref<128xi32, #tpu.memory_space<vmem>>
      %dma_wait3A_995 = arith.constant 36096 : i32
      %dma_wait3A_996 = tpu.memref_slice %arg3[%dma_wait3A_995] : memref<36601xi32, #tpu.memory_space<hbm>> -> memref<128xi32, #tpu.memory_space<hbm>>
      tpu.wait_dma2 semaphore(%arg8 : memref<!tpu.dma_semaphore, #tpu.memory_space<semaphore_mem>>) src(%dma_wait3A_996 : memref<128xi32, #tpu.memory_space<hbm>>) dst(%dma_wait3A_994 : memref<128xi32, #tpu.memory_space<vmem>>)
      %dma_wait3A_997 = arith.constant 4 : i32
      %dma_wait3A_998 = arith.constant 0 : i32
      %dma_wait3A_999 = tpu.memref_slice %arg5[%dma_wait3A_997, %dma_wait3A_998] : memref<9x128xi32, #tpu.memory_space<vmem>> -> memref<1x128xi32, #tpu.memory_space<vmem>>
      %dma_wait3A_1000 = tpu.memref_squeeze %dma_wait3A_999 : memref<1x128xi32, #tpu.memory_space<vmem>> -> memref<128xi32, #tpu.memory_space<vmem>>
      %dma_wait3A_1001 = arith.constant 36224 : i32
      %dma_wait3A_1002 = tpu.memref_slice %arg3[%dma_wait3A_1001] : memref<36601xi32, #tpu.memory_space<hbm>> -> memref<128xi32, #tpu.memory_space<hbm>>
      %dma_wait3A_1003 = arith.constant 0 : i32
      %dma_wait3A_1004 = tpu.memref_slice %arg5[%dma_wait3A_997, %dma_wait3A_1003] : memref<9x128xi32, #tpu.memory_space<vmem>> -> memref<1x128xi32, #tpu.memory_space<vmem>>
      %dma_wait3A_1005 = tpu.memref_squeeze %dma_wait3A_1004 : memref<1x128xi32, #tpu.memory_space<vmem>> -> memref<128xi32, #tpu.memory_space<vmem>>
      %dma_wait3A_1006 = arith.constant 36224 : i32
      %dma_wait3A_1007 = tpu.memref_slice %arg3[%dma_wait3A_1006] : memref<36601xi32, #tpu.memory_space<hbm>> -> memref<128xi32, #tpu.memory_space<hbm>>
      tpu.wait_dma2 semaphore(%arg8 : memref<!tpu.dma_semaphore, #tpu.memory_space<semaphore_mem>>) src(%dma_wait3A_1007 : memref<128xi32, #tpu.memory_space<hbm>>) dst(%dma_wait3A_1005 : memref<128xi32, #tpu.memory_space<vmem>>)
      %dma_wait3A_1008 = arith.constant 5 : i32
      %dma_wait3A_1009 = arith.constant 0 : i32
      %dma_wait3A_1010 = tpu.memref_slice %arg5[%dma_wait3A_1008, %dma_wait3A_1009] : memref<9x128xi32, #tpu.memory_space<vmem>> -> memref<1x128xi32, #tpu.memory_space<vmem>>
      %dma_wait3A_1011 = tpu.memref_squeeze %dma_wait3A_1010 : memref<1x128xi32, #tpu.memory_space<vmem>> -> memref<128xi32, #tpu.memory_space<vmem>>
      %dma_wait3A_1012 = arith.constant 36352 : i32
      %dma_wait3A_1013 = tpu.memref_slice %arg3[%dma_wait3A_1012] : memref<36601xi32, #tpu.memory_space<hbm>> -> memref<128xi32, #tpu.memory_space<hbm>>
      %dma_wait3A_1014 = arith.constant 0 : i32
      %dma_wait3A_1015 = tpu.memref_slice %arg5[%dma_wait3A_1008, %dma_wait3A_1014] : memref<9x128xi32, #tpu.memory_space<vmem>> -> memref<1x128xi32, #tpu.memory_space<vmem>>
      %dma_wait3A_1016 = tpu.memref_squeeze %dma_wait3A_1015 : memref<1x128xi32, #tpu.memory_space<vmem>> -> memref<128xi32, #tpu.memory_space<vmem>>
      %dma_wait3A_1017 = arith.constant 36352 : i32
      %dma_wait3A_1018 = tpu.memref_slice %arg3[%dma_wait3A_1017] : memref<36601xi32, #tpu.memory_space<hbm>> -> memref<128xi32, #tpu.memory_space<hbm>>
      tpu.wait_dma2 semaphore(%arg8 : memref<!tpu.dma_semaphore, #tpu.memory_space<semaphore_mem>>) src(%dma_wait3A_1018 : memref<128xi32, #tpu.memory_space<hbm>>) dst(%dma_wait3A_1016 : memref<128xi32, #tpu.memory_space<vmem>>)
      %dma_wait3A_1019 = arith.constant 6 : i32
      %dma_wait3A_1020 = arith.constant 0 : i32
      %dma_wait3A_1021 = tpu.memref_slice %arg5[%dma_wait3A_1019, %dma_wait3A_1020] : memref<9x128xi32, #tpu.memory_space<vmem>> -> memref<1x121xi32, #tpu.memory_space<vmem>>
      %dma_wait3A_1022 = tpu.memref_squeeze %dma_wait3A_1021 : memref<1x121xi32, #tpu.memory_space<vmem>> -> memref<121xi32, #tpu.memory_space<vmem>>
      %dma_wait3A_1023 = arith.constant 36480 : i32
      %dma_wait3A_1024 = tpu.memref_slice %arg3[%dma_wait3A_1023] : memref<36601xi32, #tpu.memory_space<hbm>> -> memref<121xi32, #tpu.memory_space<hbm>>
      %dma_wait3A_1025 = arith.constant 0 : i32
      %dma_wait3A_1026 = tpu.memref_slice %arg5[%dma_wait3A_1019, %dma_wait3A_1025] : memref<9x128xi32, #tpu.memory_space<vmem>> -> memref<1x121xi32, #tpu.memory_space<vmem>>
      %dma_wait3A_1027 = tpu.memref_squeeze %dma_wait3A_1026 : memref<1x121xi32, #tpu.memory_space<vmem>> -> memref<121xi32, #tpu.memory_space<vmem>>
      %dma_wait3A_1028 = arith.constant 36480 : i32
      %dma_wait3A_1029 = tpu.memref_slice %arg3[%dma_wait3A_1028] : memref<36601xi32, #tpu.memory_space<hbm>> -> memref<121xi32, #tpu.memory_space<hbm>>
      tpu.wait_dma2 semaphore(%arg8 : memref<!tpu.dma_semaphore, #tpu.memory_space<semaphore_mem>>) src(%dma_wait3A_1029 : memref<121xi32, #tpu.memory_space<hbm>>) dst(%dma_wait3A_1027 : memref<121xi32, #tpu.memory_space<vmem>>)
      %get3A_1030 = arith.constant 6 : i32
      %get3A_1031 = arith.index_cast %get3A_1030 : i32 to index
      %get3A_1032 = arith.constant 0 : index
      %get3A_1033 = tpu.vector_load %arg5[%get3A_1031, %get3A_1032] {strides = array<i32>} : memref<9x128xi32, #tpu.memory_space<vmem>>, vector<16xi32>,
      %max3A = arith.constant 0 : i32
      %max3A_1034 = vector.broadcast %max3A : i32 to vector<16xi32>
      %max3A_1035 = arith.maxsi %get3A_1033, %max3A_1034 : vector<16xi32>
      %min3A = arith.constant 36600 : i32
      %min3A_1036 = vector.broadcast %min3A : i32 to vector<16xi32>
      %min3A_1037 = arith.minsi %max3A_1035, %min3A_1036 : vector<16xi32>
      %swap3A_1038 = arith.constant 6 : i32
      %swap3A_1039 = arith.index_cast %swap3A_1038 : i32 to index
      %swap3A_1040 = arith.constant 0 : index
      %swap3A_1041 = tpu.vector_load %arg5[%swap3A_1039, %swap3A_1040] {strides = array<i32>} : memref<9x128xi32, #tpu.memory_space<vmem>>, vector<16xi32>,
      tpu.vector_store %arg5[%swap3A_1039, %swap3A_1040], %min3A_1037 {strides = array<i32>} : memref<9x128xi32, #tpu.memory_space<vmem>>, vector<16xi32>,
      %get3A_1042 = arith.constant 6 : i32
      %get3A_1043 = arith.index_cast %get3A_1042 : i32 to index
      %get3A_1044 = arith.constant 16 : index
      %get3A_1045 = tpu.vector_load %arg5[%get3A_1043, %get3A_1044] {strides = array<i32>} : memref<9x128xi32, #tpu.memory_space<vmem>>, vector<16xi32>,
      %max3A_1046 = arith.constant 0 : i32
      %max3A_1047 = vector.broadcast %max3A_1046 : i32 to vector<16xi32>
      %max3A_1048 = arith.maxsi %get3A_1045, %max3A_1047 : vector<16xi32>
      %min3A_1049 = arith.constant 36600 : i32
      %min3A_1050 = vector.broadcast %min3A_1049 : i32 to vector<16xi32>
      %min3A_1051 = arith.minsi %max3A_1048, %min3A_1050 : vector<16xi32>
      %swap3A_1052 = arith.constant 6 : i32
      %swap3A_1053 = arith.index_cast %swap3A_1052 : i32 to index
      %swap3A_1054 = arith.constant 16 : index
      %swap3A_1055 = tpu.vector_load %arg5[%swap3A_1053, %swap3A_1054] {strides = array<i32>} : memref<9x128xi32, #tpu.memory_space<vmem>>, vector<16xi32>,
      tpu.vector_store %arg5[%swap3A_1053, %swap3A_1054], %min3A_1051 {strides = array<i32>} : memref<9x128xi32, #tpu.memory_space<vmem>>, vector<16xi32>,
      %get3A_1056 = arith.constant 6 : i32
      %get3A_1057 = arith.index_cast %get3A_1056 : i32 to index
      %get3A_1058 = arith.constant 32 : index
      %get3A_1059 = tpu.vector_load %arg5[%get3A_1057, %get3A_1058] {strides = array<i32>} : memref<9x128xi32, #tpu.memory_space<vmem>>, vector<16xi32>,
      %max3A_1060 = arith.constant 0 : i32
      %max3A_1061 = vector.broadcast %max3A_1060 : i32 to vector<16xi32>
      %max3A_1062 = arith.maxsi %get3A_1059, %max3A_1061 : vector<16xi32>
      %min3A_1063 = arith.constant 36600 : i32
      %min3A_1064 = vector.broadcast %min3A_1063 : i32 to vector<16xi32>
      %min3A_1065 = arith.minsi %max3A_1062, %min3A_1064 : vector<16xi32>
      %swap3A_1066 = arith.constant 6 : i32
      %swap3A_1067 = arith.index_cast %swap3A_1066 : i32 to index
      %swap3A_1068 = arith.constant 32 : index
      %swap3A_1069 = tpu.vector_load %arg5[%swap3A_1067, %swap3A_1068] {strides = array<i32>} : memref<9x128xi32, #tpu.memory_space<vmem>>, vector<16xi32>,
      tpu.vector_store %arg5[%swap3A_1067, %swap3A_1068], %min3A_1065 {strides = array<i32>} : memref<9x128xi32, #tpu.memory_space<vmem>>, vector<16xi32>,
      %get3A_1070 = arith.constant 6 : i32
      %get3A_1071 = arith.index_cast %get3A_1070 : i32 to index
      %get3A_1072 = arith.constant 48 : index
      %get3A_1073 = tpu.vector_load %arg5[%get3A_1071, %get3A_1072] {strides = array<i32>} : memref<9x128xi32, #tpu.memory_space<vmem>>, vector<16xi32>,
      %max3A_1074 = arith.constant 0 : i32
      %max3A_1075 = vector.broadcast %max3A_1074 : i32 to vector<16xi32>
      %max3A_1076 = arith.maxsi %get3A_1073, %max3A_1075 : vector<16xi32>
      %min3A_1077 = arith.constant 36600 : i32
      %min3A_1078 = vector.broadcast %min3A_1077 : i32 to vector<16xi32>
      %min3A_1079 = arith.minsi %max3A_1076, %min3A_1078 : vector<16xi32>
      %swap3A_1080 = arith.constant 6 : i32
      %swap3A_1081 = arith.index_cast %swap3A_1080 : i32 to index
      %swap3A_1082 = arith.constant 48 : index
      %swap3A_1083 = tpu.vector_load %arg5[%swap3A_1081, %swap3A_1082] {strides = array<i32>} : memref<9x128xi32, #tpu.memory_space<vmem>>, vector<16xi32>,
      tpu.vector_store %arg5[%swap3A_1081, %swap3A_1082], %min3A_1079 {strides = array<i32>} : memref<9x128xi32, #tpu.memory_space<vmem>>, vector<16xi32>,
      %get3A_1084 = arith.constant 6 : i32
      %get3A_1085 = arith.index_cast %get3A_1084 : i32 to index
      %get3A_1086 = arith.constant 64 : index
      %get3A_1087 = tpu.vector_load %arg5[%get3A_1085, %get3A_1086] {strides = array<i32>} : memref<9x128xi32, #tpu.memory_space<vmem>>, vector<16xi32>,
      %max3A_1088 = arith.constant 0 : i32
      %max3A_1089 = vector.broadcast %max3A_1088 : i32 to vector<16xi32>
      %max3A_1090 = arith.maxsi %get3A_1087, %max3A_1089 : vector<16xi32>
      %min3A_1091 = arith.constant 36600 : i32
      %min3A_1092 = vector.broadcast %min3A_1091 : i32 to vector<16xi32>
      %min3A_1093 = arith.minsi %max3A_1090, %min3A_1092 : vector<16xi32>
      %swap3A_1094 = arith.constant 6 : i32
      %swap3A_1095 = arith.index_cast %swap3A_1094 : i32 to index
      %swap3A_1096 = arith.constant 64 : index
      %swap3A_1097 = tpu.vector_load %arg5[%swap3A_1095, %swap3A_1096] {strides = array<i32>} : memref<9x128xi32, #tpu.memory_space<vmem>>, vector<16xi32>,
      tpu.vector_store %arg5[%swap3A_1095, %swap3A_1096], %min3A_1093 {strides = array<i32>} : memref<9x128xi32, #tpu.memory_space<vmem>>, vector<16xi32>,
      %get3A_1098 = arith.constant 6 : i32
      %get3A_1099 = arith.index_cast %get3A_1098 : i32 to index
      %get3A_1100 = arith.constant 80 : index
      %get3A_1101 = tpu.vector_load %arg5[%get3A_1099, %get3A_1100] {strides = array<i32>} : memref<9x128xi32, #tpu.memory_space<vmem>>, vector<16xi32>,
      %max3A_1102 = arith.constant 0 : i32
      %max3A_1103 = vector.broadcast %max3A_1102 : i32 to vector<16xi32>
      %max3A_1104 = arith.maxsi %get3A_1101, %max3A_1103 : vector<16xi32>
      %min3A_1105 = arith.constant 36600 : i32
      %min3A_1106 = vector.broadcast %min3A_1105 : i32 to vector<16xi32>
      %min3A_1107 = arith.minsi %max3A_1104, %min3A_1106 : vector<16xi32>
      %swap3A_1108 = arith.constant 6 : i32
      %swap3A_1109 = arith.index_cast %swap3A_1108 : i32 to index
      %swap3A_1110 = arith.constant 80 : index
      %swap3A_1111 = tpu.vector_load %arg5[%swap3A_1109, %swap3A_1110] {strides = array<i32>} : memref<9x128xi32, #tpu.memory_space<vmem>>, vector<16xi32>,
      tpu.vector_store %arg5[%swap3A_1109, %swap3A_1110], %min3A_1107 {strides = array<i32>} : memref<9x128xi32, #tpu.memory_space<vmem>>, vector<16xi32>,
      %get3A_1112 = arith.constant 6 : i32
      %get3A_1113 = arith.index_cast %get3A_1112 : i32 to index
      %get3A_1114 = arith.constant 96 : index
      %get3A_1115 = tpu.vector_load %arg5[%get3A_1113, %get3A_1114] {strides = array<i32>} : memref<9x128xi32, #tpu.memory_space<vmem>>, vector<16xi32>,
      %max3A_1116 = arith.constant 0 : i32
      %max3A_1117 = vector.broadcast %max3A_1116 : i32 to vector<16xi32>
      %max3A_1118 = arith.maxsi %get3A_1115, %max3A_1117 : vector<16xi32>
      %min3A_1119 = arith.constant 36600 : i32
      %min3A_1120 = vector.broadcast %min3A_1119 : i32 to vector<16xi32>
      %min3A_1121 = arith.minsi %max3A_1118, %min3A_1120 : vector<16xi32>
      %swap3A_1122 = arith.constant 6 : i32
      %swap3A_1123 = arith.index_cast %swap3A_1122 : i32 to index
      %swap3A_1124 = arith.constant 96 : index
      %swap3A_1125 = tpu.vector_load %arg5[%swap3A_1123, %swap3A_1124] {strides = array<i32>} : memref<9x128xi32, #tpu.memory_space<vmem>>, vector<16xi32>,
      tpu.vector_store %arg5[%swap3A_1123, %swap3A_1124], %min3A_1121 {strides = array<i32>} : memref<9x128xi32, #tpu.memory_space<vmem>>, vector<16xi32>,
      %get3A_1126 = arith.constant 6 : i32
      %get3A_1127 = arith.index_cast %get3A_1126 : i32 to index
      %get3A_1128 = arith.constant 112 : index
      %get3A_1129 = tpu.vector_load %arg5[%get3A_1127, %get3A_1128] {strides = array<i32>} : memref<9x128xi32, #tpu.memory_space<vmem>>, vector<16xi32>,
      %max3A_1130 = arith.constant 0 : i32
      %max3A_1131 = vector.broadcast %max3A_1130 : i32 to vector<16xi32>
      %max3A_1132 = arith.maxsi %get3A_1129, %max3A_1131 : vector<16xi32>
      %min3A_1133 = arith.constant 36600 : i32
      %min3A_1134 = vector.broadcast %min3A_1133 : i32 to vector<16xi32>
      %min3A_1135 = arith.minsi %max3A_1132, %min3A_1134 : vector<16xi32>
      %swap3A_1136 = arith.constant 6 : i32
      %swap3A_1137 = arith.index_cast %swap3A_1136 : i32 to index
      %swap3A_1138 = arith.constant 112 : index
      %swap3A_1139 = tpu.vector_load %arg5[%swap3A_1137, %swap3A_1138] {strides = array<i32>} : memref<9x128xi32, #tpu.memory_space<vmem>>, vector<16xi32>,
      tpu.vector_store %arg5[%swap3A_1137, %swap3A_1138], %min3A_1135 {strides = array<i32>} : memref<9x128xi32, #tpu.memory_space<vmem>>, vector<16xi32>,
      %get3A_1140 = arith.constant 7 : i32
      %get3A_1141 = arith.index_cast %get3A_1140 : i32 to index
      %get3A_1142 = arith.constant 0 : index
      %get3A_1143 = tpu.vector_load %arg5[%get3A_1141, %get3A_1142] {strides = array<i32>} : memref<9x128xi32, #tpu.memory_space<vmem>>, vector<16xi32>,
      %max3A_1144 = arith.constant 0 : i32
      %max3A_1145 = vector.broadcast %max3A_1144 : i32 to vector<16xi32>
      %max3A_1146 = arith.maxsi %get3A_1143, %max3A_1145 : vector<16xi32>
      %min3A_1147 = arith.constant 36600 : i32
      %min3A_1148 = vector.broadcast %min3A_1147 : i32 to vector<16xi32>
      %min3A_1149 = arith.minsi %max3A_1146, %min3A_1148 : vector<16xi32>
      %swap3A_1150 = arith.constant 7 : i32
      %swap3A_1151 = arith.index_cast %swap3A_1150 : i32 to index
      %swap3A_1152 = arith.constant 0 : index
      %swap3A_1153 = tpu.vector_load %arg5[%swap3A_1151, %swap3A_1152] {strides = array<i32>} : memref<9x128xi32, #tpu.memory_space<vmem>>, vector<16xi32>,
      tpu.vector_store %arg5[%swap3A_1151, %swap3A_1152], %min3A_1149 {strides = array<i32>} : memref<9x128xi32, #tpu.memory_space<vmem>>, vector<16xi32>,
      %get3A_1154 = arith.constant 7 : i32
      %get3A_1155 = arith.index_cast %get3A_1154 : i32 to index
      %get3A_1156 = arith.constant 16 : index
      %get3A_1157 = tpu.vector_load %arg5[%get3A_1155, %get3A_1156] {strides = array<i32>} : memref<9x128xi32, #tpu.memory_space<vmem>>, vector<16xi32>,
      %max3A_1158 = arith.constant 0 : i32
      %max3A_1159 = vector.broadcast %max3A_1158 : i32 to vector<16xi32>
      %max3A_1160 = arith.maxsi %get3A_1157, %max3A_1159 : vector<16xi32>
      %min3A_1161 = arith.constant 36600 : i32
      %min3A_1162 = vector.broadcast %min3A_1161 : i32 to vector<16xi32>
      %min3A_1163 = arith.minsi %max3A_1160, %min3A_1162 : vector<16xi32>
      %swap3A_1164 = arith.constant 7 : i32
      %swap3A_1165 = arith.index_cast %swap3A_1164 : i32 to index
      %swap3A_1166 = arith.constant 16 : index
      %swap3A_1167 = tpu.vector_load %arg5[%swap3A_1165, %swap3A_1166] {strides = array<i32>} : memref<9x128xi32, #tpu.memory_space<vmem>>, vector<16xi32>,
      tpu.vector_store %arg5[%swap3A_1165, %swap3A_1166], %min3A_1163 {strides = array<i32>} : memref<9x128xi32, #tpu.memory_space<vmem>>, vector<16xi32>,
      %get3A_1168 = arith.constant 7 : i32
      %get3A_1169 = arith.index_cast %get3A_1168 : i32 to index
      %get3A_1170 = arith.constant 32 : index
      %get3A_1171 = tpu.vector_load %arg5[%get3A_1169, %get3A_1170] {strides = array<i32>} : memref<9x128xi32, #tpu.memory_space<vmem>>, vector<16xi32>,
      %max3A_1172 = arith.constant 0 : i32
      %max3A_1173 = vector.broadcast %max3A_1172 : i32 to vector<16xi32>
      %max3A_1174 = arith.maxsi %get3A_1171, %max3A_1173 : vector<16xi32>
      %min3A_1175 = arith.constant 36600 : i32
      %min3A_1176 = vector.broadcast %min3A_1175 : i32 to vector<16xi32>
      %min3A_1177 = arith.minsi %max3A_1174, %min3A_1176 : vector<16xi32>
      %swap3A_1178 = arith.constant 7 : i32
      %swap3A_1179 = arith.index_cast %swap3A_1178 : i32 to index
      %swap3A_1180 = arith.constant 32 : index
      %swap3A_1181 = tpu.vector_load %arg5[%swap3A_1179, %swap3A_1180] {strides = array<i32>} : memref<9x128xi32, #tpu.memory_space<vmem>>, vector<16xi32>,
      tpu.vector_store %arg5[%swap3A_1179, %swap3A_1180], %min3A_1177 {strides = array<i32>} : memref<9x128xi32, #tpu.memory_space<vmem>>, vector<16xi32>,
      %get3A_1182 = arith.constant 7 : i32
      %get3A_1183 = arith.index_cast %get3A_1182 : i32 to index
      %get3A_1184 = arith.constant 48 : index
      %get3A_1185 = tpu.vector_load %arg5[%get3A_1183, %get3A_1184] {strides = array<i32>} : memref<9x128xi32, #tpu.memory_space<vmem>>, vector<16xi32>,
      %max3A_1186 = arith.constant 0 : i32
      %max3A_1187 = vector.broadcast %max3A_1186 : i32 to vector<16xi32>
      %max3A_1188 = arith.maxsi %get3A_1185, %max3A_1187 : vector<16xi32>
      %min3A_1189 = arith.constant 36600 : i32
      %min3A_1190 = vector.broadcast %min3A_1189 : i32 to vector<16xi32>
      %min3A_1191 = arith.minsi %max3A_1188, %min3A_1190 : vector<16xi32>
      %swap3A_1192 = arith.constant 7 : i32
      %swap3A_1193 = arith.index_cast %swap3A_1192 : i32 to index
      %swap3A_1194 = arith.constant 48 : index
      %swap3A_1195 = tpu.vector_load %arg5[%swap3A_1193, %swap3A_1194] {strides = array<i32>} : memref<9x128xi32, #tpu.memory_space<vmem>>, vector<16xi32>,
      tpu.vector_store %arg5[%swap3A_1193, %swap3A_1194], %min3A_1191 {strides = array<i32>} : memref<9x128xi32, #tpu.memory_space<vmem>>, vector<16xi32>,
      %get3A_1196 = arith.constant 7 : i32
      %get3A_1197 = arith.index_cast %get3A_1196 : i32 to index
      %get3A_1198 = arith.constant 64 : index
      %get3A_1199 = tpu.vector_load %arg5[%get3A_1197, %get3A_1198] {strides = array<i32>} : memref<9x128xi32, #tpu.memory_space<vmem>>, vector<16xi32>,
      %max3A_1200 = arith.constant 0 : i32
      %max3A_1201 = vector.broadcast %max3A_1200 : i32 to vector<16xi32>
      %max3A_1202 = arith.maxsi %get3A_1199, %max3A_1201 : vector<16xi32>
      %min3A_1203 = arith.constant 36600 : i32
      %min3A_1204 = vector.broadcast %min3A_1203 : i32 to vector<16xi32>
      %min3A_1205 = arith.minsi %max3A_1202, %min3A_1204 : vector<16xi32>
      %swap3A_1206 = arith.constant 7 : i32
      %swap3A_1207 = arith.index_cast %swap3A_1206 : i32 to index
      %swap3A_1208 = arith.constant 64 : index
      %swap3A_1209 = tpu.vector_load %arg5[%swap3A_1207, %swap3A_1208] {strides = array<i32>} : memref<9x128xi32, #tpu.memory_space<vmem>>, vector<16xi32>,
      tpu.vector_store %arg5[%swap3A_1207, %swap3A_1208], %min3A_1205 {strides = array<i32>} : memref<9x128xi32, #tpu.memory_space<vmem>>, vector<16xi32>,
      %get3A_1210 = arith.constant 7 : i32
      %get3A_1211 = arith.index_cast %get3A_1210 : i32 to index
      %get3A_1212 = arith.constant 80 : index
      %get3A_1213 = tpu.vector_load %arg5[%get3A_1211, %get3A_1212] {strides = array<i32>} : memref<9x128xi32, #tpu.memory_space<vmem>>, vector<16xi32>,
      %max3A_1214 = arith.constant 0 : i32
      %max3A_1215 = vector.broadcast %max3A_1214 : i32 to vector<16xi32>
      %max3A_1216 = arith.maxsi %get3A_1213, %max3A_1215 : vector<16xi32>
      %min3A_1217 = arith.constant 36600 : i32
      %min3A_1218 = vector.broadcast %min3A_1217 : i32 to vector<16xi32>
      %min3A_1219 = arith.minsi %max3A_1216, %min3A_1218 : vector<16xi32>
      %swap3A_1220 = arith.constant 7 : i32
      %swap3A_1221 = arith.index_cast %swap3A_1220 : i32 to index
      %swap3A_1222 = arith.constant 80 : index
      %swap3A_1223 = tpu.vector_load %arg5[%swap3A_1221, %swap3A_1222] {strides = array<i32>} : memref<9x128xi32, #tpu.memory_space<vmem>>, vector<16xi32>,
      tpu.vector_store %arg5[%swap3A_1221, %swap3A_1222], %min3A_1219 {strides = array<i32>} : memref<9x128xi32, #tpu.memory_space<vmem>>, vector<16xi32>,
      %get3A_1224 = arith.constant 7 : i32
      %get3A_1225 = arith.index_cast %get3A_1224 : i32 to index
      %get3A_1226 = arith.constant 96 : index
      %get3A_1227 = tpu.vector_load %arg5[%get3A_1225, %get3A_1226] {strides = array<i32>} : memref<9x128xi32, #tpu.memory_space<vmem>>, vector<16xi32>,
      %max3A_1228 = arith.constant 0 : i32
      %max3A_1229 = vector.broadcast %max3A_1228 : i32 to vector<16xi32>
      %max3A_1230 = arith.maxsi %get3A_1227, %max3A_1229 : vector<16xi32>
      %min3A_1231 = arith.constant 36600 : i32
      %min3A_1232 = vector.broadcast %min3A_1231 : i32 to vector<16xi32>
      %min3A_1233 = arith.minsi %max3A_1230, %min3A_1232 : vector<16xi32>
      %swap3A_1234 = arith.constant 7 : i32
      %swap3A_1235 = arith.index_cast %swap3A_1234 : i32 to index
      %swap3A_1236 = arith.constant 96 : index
      %swap3A_1237 = tpu.vector_load %arg5[%swap3A_1235, %swap3A_1236] {strides = array<i32>} : memref<9x128xi32, #tpu.memory_space<vmem>>, vector<16xi32>,
      tpu.vector_store %arg5[%swap3A_1235, %swap3A_1236], %min3A_1233 {strides = array<i32>} : memref<9x128xi32, #tpu.memory_space<vmem>>, vector<16xi32>,
      %get3A_1238 = arith.constant 7 : i32
      %get3A_1239 = arith.index_cast %get3A_1238 : i32 to index
      %get3A_1240 = arith.constant 112 : index
      %get3A_1241 = tpu.vector_load %arg5[%get3A_1239, %get3A_1240] {strides = array<i32>} : memref<9x128xi32, #tpu.memory_space<vmem>>, vector<16xi32>,
      %max3A_1242 = arith.constant 0 : i32
      %max3A_1243 = vector.broadcast %max3A_1242 : i32 to vector<16xi32>
      %max3A_1244 = arith.maxsi %get3A_1241, %max3A_1243 : vector<16xi32>
      %min3A_1245 = arith.constant 36600 : i32
      %min3A_1246 = vector.broadcast %min3A_1245 : i32 to vector<16xi32>
      %min3A_1247 = arith.minsi %max3A_1244, %min3A_1246 : vector<16xi32>
      %swap3A_1248 = arith.constant 7 : i32
      %swap3A_1249 = arith.index_cast %swap3A_1248 : i32 to index
      %swap3A_1250 = arith.constant 112 : index
      %swap3A_1251 = tpu.vector_load %arg5[%swap3A_1249, %swap3A_1250] {strides = array<i32>} : memref<9x128xi32, #tpu.memory_space<vmem>>, vector<16xi32>,
      tpu.vector_store %arg5[%swap3A_1249, %swap3A_1250], %min3A_1247 {strides = array<i32>} : memref<9x128xi32, #tpu.memory_space<vmem>>, vector<16xi32>,
      %get3A_1252 = arith.constant 8 : i32
      %get3A_1253 = arith.index_cast %get3A_1252 : i32 to index
      %get3A_1254 = arith.constant 0 : index
      %get3A_1255 = tpu.vector_load %arg5[%get3A_1253, %get3A_1254] {strides = array<i32>} : memref<9x128xi32, #tpu.memory_space<vmem>>, vector<16xi32>,
      %max3A_1256 = arith.constant 0 : i32
      %max3A_1257 = vector.broadcast %max3A_1256 : i32 to vector<16xi32>
      %max3A_1258 = arith.maxsi %get3A_1255, %max3A_1257 : vector<16xi32>
      %min3A_1259 = arith.constant 36600 : i32
      %min3A_1260 = vector.broadcast %min3A_1259 : i32 to vector<16xi32>
      %min3A_1261 = arith.minsi %max3A_1258, %min3A_1260 : vector<16xi32>
      %swap3A_1262 = arith.constant 8 : i32
      %swap3A_1263 = arith.index_cast %swap3A_1262 : i32 to index
      %swap3A_1264 = arith.constant 0 : index
      %swap3A_1265 = tpu.vector_load %arg5[%swap3A_1263, %swap3A_1264] {strides = array<i32>} : memref<9x128xi32, #tpu.memory_space<vmem>>, vector<16xi32>,
      tpu.vector_store %arg5[%swap3A_1263, %swap3A_1264], %min3A_1261 {strides = array<i32>} : memref<9x128xi32, #tpu.memory_space<vmem>>, vector<16xi32>,
      %get3A_1266 = arith.constant 8 : i32
      %get3A_1267 = arith.index_cast %get3A_1266 : i32 to index
      %get3A_1268 = arith.constant 16 : index
      %get3A_1269 = tpu.vector_load %arg5[%get3A_1267, %get3A_1268] {strides = array<i32>} : memref<9x128xi32, #tpu.memory_space<vmem>>, vector<16xi32>,
      %max3A_1270 = arith.constant 0 : i32
      %max3A_1271 = vector.broadcast %max3A_1270 : i32 to vector<16xi32>
      %max3A_1272 = arith.maxsi %get3A_1269, %max3A_1271 : vector<16xi32>
      %min3A_1273 = arith.constant 36600 : i32
      %min3A_1274 = vector.broadcast %min3A_1273 : i32 to vector<16xi32>
      %min3A_1275 = arith.minsi %max3A_1272, %min3A_1274 : vector<16xi32>
      %swap3A_1276 = arith.constant 8 : i32
      %swap3A_1277 = arith.index_cast %swap3A_1276 : i32 to index
      %swap3A_1278 = arith.constant 16 : index
      %swap3A_1279 = tpu.vector_load %arg5[%swap3A_1277, %swap3A_1278] {strides = array<i32>} : memref<9x128xi32, #tpu.memory_space<vmem>>, vector<16xi32>,
      tpu.vector_store %arg5[%swap3A_1277, %swap3A_1278], %min3A_1275 {strides = array<i32>} : memref<9x128xi32, #tpu.memory_space<vmem>>, vector<16xi32>,
      %get3A_1280 = arith.constant 8 : i32
      %get3A_1281 = arith.index_cast %get3A_1280 : i32 to index
      %get3A_1282 = arith.constant 32 : index
      %get3A_1283 = tpu.vector_load %arg5[%get3A_1281, %get3A_1282] {strides = array<i32>} : memref<9x128xi32, #tpu.memory_space<vmem>>, vector<16xi32>,
      %max3A_1284 = arith.constant 0 : i32
      %max3A_1285 = vector.broadcast %max3A_1284 : i32 to vector<16xi32>
      %max3A_1286 = arith.maxsi %get3A_1283, %max3A_1285 : vector<16xi32>
      %min3A_1287 = arith.constant 36600 : i32
      %min3A_1288 = vector.broadcast %min3A_1287 : i32 to vector<16xi32>
      %min3A_1289 = arith.minsi %max3A_1286, %min3A_1288 : vector<16xi32>
      %swap3A_1290 = arith.constant 8 : i32
      %swap3A_1291 = arith.index_cast %swap3A_1290 : i32 to index
      %swap3A_1292 = arith.constant 32 : index
      %swap3A_1293 = tpu.vector_load %arg5[%swap3A_1291, %swap3A_1292] {strides = array<i32>} : memref<9x128xi32, #tpu.memory_space<vmem>>, vector<16xi32>,
      tpu.vector_store %arg5[%swap3A_1291, %swap3A_1292], %min3A_1289 {strides = array<i32>} : memref<9x128xi32, #tpu.memory_space<vmem>>, vector<16xi32>,
      %get3A_1294 = arith.constant 8 : i32
      %get3A_1295 = arith.index_cast %get3A_1294 : i32 to index
      %get3A_1296 = arith.constant 48 : index
      %get3A_1297 = tpu.vector_load %arg5[%get3A_1295, %get3A_1296] {strides = array<i32>} : memref<9x128xi32, #tpu.memory_space<vmem>>, vector<16xi32>,
      %max3A_1298 = arith.constant 0 : i32
      %max3A_1299 = vector.broadcast %max3A_1298 : i32 to vector<16xi32>
      %max3A_1300 = arith.maxsi %get3A_1297, %max3A_1299 : vector<16xi32>
      %min3A_1301 = arith.constant 36600 : i32
      %min3A_1302 = vector.broadcast %min3A_1301 : i32 to vector<16xi32>
      %min3A_1303 = arith.minsi %max3A_1300, %min3A_1302 : vector<16xi32>
      %swap3A_1304 = arith.constant 8 : i32
      %swap3A_1305 = arith.index_cast %swap3A_1304 : i32 to index
      %swap3A_1306 = arith.constant 48 : index
      %swap3A_1307 = tpu.vector_load %arg5[%swap3A_1305, %swap3A_1306] {strides = array<i32>} : memref<9x128xi32, #tpu.memory_space<vmem>>, vector<16xi32>,
      tpu.vector_store %arg5[%swap3A_1305, %swap3A_1306], %min3A_1303 {strides = array<i32>} : memref<9x128xi32, #tpu.memory_space<vmem>>, vector<16xi32>,
      %get3A_1308 = arith.constant 8 : i32
      %get3A_1309 = arith.index_cast %get3A_1308 : i32 to index
      %get3A_1310 = arith.constant 64 : index
      %get3A_1311 = tpu.vector_load %arg5[%get3A_1309, %get3A_1310] {strides = array<i32>} : memref<9x128xi32, #tpu.memory_space<vmem>>, vector<16xi32>,
      %max3A_1312 = arith.constant 0 : i32
      %max3A_1313 = vector.broadcast %max3A_1312 : i32 to vector<16xi32>
      %max3A_1314 = arith.maxsi %get3A_1311, %max3A_1313 : vector<16xi32>
      %min3A_1315 = arith.constant 36600 : i32
      %min3A_1316 = vector.broadcast %min3A_1315 : i32 to vector<16xi32>
      %min3A_1317 = arith.minsi %max3A_1314, %min3A_1316 : vector<16xi32>
      %swap3A_1318 = arith.constant 8 : i32
      %swap3A_1319 = arith.index_cast %swap3A_1318 : i32 to index
      %swap3A_1320 = arith.constant 64 : index
      %swap3A_1321 = tpu.vector_load %arg5[%swap3A_1319, %swap3A_1320] {strides = array<i32>} : memref<9x128xi32, #tpu.memory_space<vmem>>, vector<16xi32>,
      tpu.vector_store %arg5[%swap3A_1319, %swap3A_1320], %min3A_1317 {strides = array<i32>} : memref<9x128xi32, #tpu.memory_space<vmem>>, vector<16xi32>,
      %get3A_1322 = arith.constant 8 : i32
      %get3A_1323 = arith.index_cast %get3A_1322 : i32 to index
      %get3A_1324 = arith.constant 80 : index
      %get3A_1325 = tpu.vector_load %arg5[%get3A_1323, %get3A_1324] {strides = array<i32>} : memref<9x128xi32, #tpu.memory_space<vmem>>, vector<16xi32>,
      %max3A_1326 = arith.constant 0 : i32
      %max3A_1327 = vector.broadcast %max3A_1326 : i32 to vector<16xi32>
      %max3A_1328 = arith.maxsi %get3A_1325, %max3A_1327 : vector<16xi32>
      %min3A_1329 = arith.constant 36600 : i32
      %min3A_1330 = vector.broadcast %min3A_1329 : i32 to vector<16xi32>
      %min3A_1331 = arith.minsi %max3A_1328, %min3A_1330 : vector<16xi32>
      %swap3A_1332 = arith.constant 8 : i32
      %swap3A_1333 = arith.index_cast %swap3A_1332 : i32 to index
      %swap3A_1334 = arith.constant 80 : index
      %swap3A_1335 = tpu.vector_load %arg5[%swap3A_1333, %swap3A_1334] {strides = array<i32>} : memref<9x128xi32, #tpu.memory_space<vmem>>, vector<16xi32>,
      tpu.vector_store %arg5[%swap3A_1333, %swap3A_1334], %min3A_1331 {strides = array<i32>} : memref<9x128xi32, #tpu.memory_space<vmem>>, vector<16xi32>,
      %get3A_1336 = arith.constant 8 : i32
      %get3A_1337 = arith.index_cast %get3A_1336 : i32 to index
      %get3A_1338 = arith.constant 96 : index
      %get3A_1339 = tpu.vector_load %arg5[%get3A_1337, %get3A_1338] {strides = array<i32>} : memref<9x128xi32, #tpu.memory_space<vmem>>, vector<16xi32>,
      %max3A_1340 = arith.constant 0 : i32
      %max3A_1341 = vector.broadcast %max3A_1340 : i32 to vector<16xi32>
      %max3A_1342 = arith.maxsi %get3A_1339, %max3A_1341 : vector<16xi32>
      %min3A_1343 = arith.constant 36600 : i32
      %min3A_1344 = vector.broadcast %min3A_1343 : i32 to vector<16xi32>
      %min3A_1345 = arith.minsi %max3A_1342, %min3A_1344 : vector<16xi32>
      %swap3A_1346 = arith.constant 8 : i32
      %swap3A_1347 = arith.index_cast %swap3A_1346 : i32 to index
      %swap3A_1348 = arith.constant 96 : index
      %swap3A_1349 = tpu.vector_load %arg5[%swap3A_1347, %swap3A_1348] {strides = array<i32>} : memref<9x128xi32, #tpu.memory_space<vmem>>, vector<16xi32>,
      tpu.vector_store %arg5[%swap3A_1347, %swap3A_1348], %min3A_1345 {strides = array<i32>} : memref<9x128xi32, #tpu.memory_space<vmem>>, vector<16xi32>,
      %get3A_1350 = arith.constant 8 : i32
      %get3A_1351 = arith.index_cast %get3A_1350 : i32 to index
      %get3A_1352 = arith.constant 112 : index
      %get3A_1353 = tpu.vector_load %arg5[%get3A_1351, %get3A_1352] {strides = array<i32>} : memref<9x128xi32, #tpu.memory_space<vmem>>, vector<16xi32>,
      %max3A_1354 = arith.constant 0 : i32
      %max3A_1355 = vector.broadcast %max3A_1354 : i32 to vector<16xi32>
      %max3A_1356 = arith.maxsi %get3A_1353, %max3A_1355 : vector<16xi32>
      %min3A_1357 = arith.constant 36600 : i32
      %min3A_1358 = vector.broadcast %min3A_1357 : i32 to vector<16xi32>
      %min3A_1359 = arith.minsi %max3A_1356, %min3A_1358 : vector<16xi32>
      %swap3A_1360 = arith.constant 8 : i32
      %swap3A_1361 = arith.index_cast %swap3A_1360 : i32 to index
      %swap3A_1362 = arith.constant 112 : index
      %swap3A_1363 = tpu.vector_load %arg5[%swap3A_1361, %swap3A_1362] {strides = array<i32>} : memref<9x128xi32, #tpu.memory_space<vmem>>, vector<16xi32>,
      tpu.vector_store %arg5[%swap3A_1361, %swap3A_1362], %min3A_1359 {strides = array<i32>} : memref<9x128xi32, #tpu.memory_space<vmem>>, vector<16xi32>,
    } else {
    }
    %dma_start3A = arith.constant 0 : i32
    %dma_start3A_9 = arith.constant 0 : i32
    %dma_start3A_10 = tpu.memref_slice %arg6[%dma_start3A_9] : memref<1152xf32, #tpu.memory_space<vmem>> -> memref<128xf32, #tpu.memory_space<vmem>>
    %dma_start3A_11 = arith.constant 0 : i32
    %dma_start3A_12 = tpu.memref_slice %arg5[%dma_start3A, %dma_start3A_11] : memref<9x128xi32, #tpu.memory_space<vmem>> -> memref<1x128xi32, #tpu.memory_space<vmem>>
    %dma_start3A_13 = tpu.memref_squeeze %dma_start3A_12 : memref<1x128xi32, #tpu.memory_space<vmem>> -> memref<128xi32, #tpu.memory_space<vmem>>
    %dma_start3A_14 = arith.constant 0 : i32
    %dma_start3A_15 = tpu.memref_slice %arg2[%dma_start3A_14] : memref<36601xf32, #tpu.memory_space<hbm>> -> memref<36601xf32, #tpu.memory_space<hbm>>
    tpu.enqueue_indirect_dma source(%dma_start3A_15 : memref<36601xf32, #tpu.memory_space<hbm>>) target(%dma_start3A_10 : memref<128xf32, #tpu.memory_space<vmem>>) offsets(%dma_start3A_13 : memref<128xi32, #tpu.memory_space<vmem>>) semaphore(%arg9 : memref<!tpu.dma_semaphore, #tpu.memory_space<semaphore_mem>>)
    %dma_start3A_16 = arith.constant 1 : i32
    %dma_start3A_17 = arith.constant 128 : i32
    %dma_start3A_18 = tpu.memref_slice %arg6[%dma_start3A_17] : memref<1152xf32, #tpu.memory_space<vmem>> -> memref<128xf32, #tpu.memory_space<vmem>>
    %dma_start3A_19 = arith.constant 0 : i32
    %dma_start3A_20 = tpu.memref_slice %arg5[%dma_start3A_16, %dma_start3A_19] : memref<9x128xi32, #tpu.memory_space<vmem>> -> memref<1x128xi32, #tpu.memory_space<vmem>>
    %dma_start3A_21 = tpu.memref_squeeze %dma_start3A_20 : memref<1x128xi32, #tpu.memory_space<vmem>> -> memref<128xi32, #tpu.memory_space<vmem>>
    %dma_start3A_22 = arith.constant 0 : i32
    %dma_start3A_23 = tpu.memref_slice %arg2[%dma_start3A_22] : memref<36601xf32, #tpu.memory_space<hbm>> -> memref<36601xf32, #tpu.memory_space<hbm>>
    tpu.enqueue_indirect_dma source(%dma_start3A_23 : memref<36601xf32, #tpu.memory_space<hbm>>) target(%dma_start3A_18 : memref<128xf32, #tpu.memory_space<vmem>>) offsets(%dma_start3A_21 : memref<128xi32, #tpu.memory_space<vmem>>) semaphore(%arg9 : memref<!tpu.dma_semaphore, #tpu.memory_space<semaphore_mem>>)
    %dma_start3A_24 = arith.constant 2 : i32
    %dma_start3A_25 = arith.constant 256 : i32
    %dma_start3A_26 = tpu.memref_slice %arg6[%dma_start3A_25] : memref<1152xf32, #tpu.memory_space<vmem>> -> memref<128xf32, #tpu.memory_space<vmem>>
    %dma_start3A_27 = arith.constant 0 : i32
    %dma_start3A_28 = tpu.memref_slice %arg5[%dma_start3A_24, %dma_start3A_27] : memref<9x128xi32, #tpu.memory_space<vmem>> -> memref<1x128xi32, #tpu.memory_space<vmem>>
    %dma_start3A_29 = tpu.memref_squeeze %dma_start3A_28 : memref<1x128xi32, #tpu.memory_space<vmem>> -> memref<128xi32, #tpu.memory_space<vmem>>
    %dma_start3A_30 = arith.constant 0 : i32
    %dma_start3A_31 = tpu.memref_slice %arg2[%dma_start3A_30] : memref<36601xf32, #tpu.memory_space<hbm>> -> memref<36601xf32, #tpu.memory_space<hbm>>
    tpu.enqueue_indirect_dma source(%dma_start3A_31 : memref<36601xf32, #tpu.memory_space<hbm>>) target(%dma_start3A_26 : memref<128xf32, #tpu.memory_space<vmem>>) offsets(%dma_start3A_29 : memref<128xi32, #tpu.memory_space<vmem>>) semaphore(%arg9 : memref<!tpu.dma_semaphore, #tpu.memory_space<semaphore_mem>>)
    %dma_start3A_32 = arith.constant 3 : i32
    %dma_start3A_33 = arith.constant 384 : i32
    %dma_start3A_34 = tpu.memref_slice %arg6[%dma_start3A_33] : memref<1152xf32, #tpu.memory_space<vmem>> -> memref<128xf32, #tpu.memory_space<vmem>>
    %dma_start3A_35 = arith.constant 0 : i32
    %dma_start3A_36 = tpu.memref_slice %arg5[%dma_start3A_32, %dma_start3A_35] : memref<9x128xi32, #tpu.memory_space<vmem>> -> memref<1x128xi32, #tpu.memory_space<vmem>>
    %dma_start3A_37 = tpu.memref_squeeze %dma_start3A_36 : memref<1x128xi32, #tpu.memory_space<vmem>> -> memref<128xi32, #tpu.memory_space<vmem>>
    %dma_start3A_38 = arith.constant 0 : i32
    %dma_start3A_39 = tpu.memref_slice %arg2[%dma_start3A_38] : memref<36601xf32, #tpu.memory_space<hbm>> -> memref<36601xf32, #tpu.memory_space<hbm>>
    tpu.enqueue_indirect_dma source(%dma_start3A_39 : memref<36601xf32, #tpu.memory_space<hbm>>) target(%dma_start3A_34 : memref<128xf32, #tpu.memory_space<vmem>>) offsets(%dma_start3A_37 : memref<128xi32, #tpu.memory_space<vmem>>) semaphore(%arg9 : memref<!tpu.dma_semaphore, #tpu.memory_space<semaphore_mem>>)
    %dma_start3A_40 = arith.constant 4 : i32
    %dma_start3A_41 = arith.constant 512 : i32
    %dma_start3A_42 = tpu.memref_slice %arg6[%dma_start3A_41] : memref<1152xf32, #tpu.memory_space<vmem>> -> memref<128xf32, #tpu.memory_space<vmem>>
    %dma_start3A_43 = arith.constant 0 : i32
    %dma_start3A_44 = tpu.memref_slice %arg5[%dma_start3A_40, %dma_start3A_43] : memref<9x128xi32, #tpu.memory_space<vmem>> -> memref<1x128xi32, #tpu.memory_space<vmem>>
    %dma_start3A_45 = tpu.memref_squeeze %dma_start3A_44 : memref<1x128xi32, #tpu.memory_space<vmem>> -> memref<128xi32, #tpu.memory_space<vmem>>
    %dma_start3A_46 = arith.constant 0 : i32
    %dma_start3A_47 = tpu.memref_slice %arg2[%dma_start3A_46] : memref<36601xf32, #tpu.memory_space<hbm>> -> memref<36601xf32, #tpu.memory_space<hbm>>
    tpu.enqueue_indirect_dma source(%dma_start3A_47 : memref<36601xf32, #tpu.memory_space<hbm>>) target(%dma_start3A_42 : memref<128xf32, #tpu.memory_space<vmem>>) offsets(%dma_start3A_45 : memref<128xi32, #tpu.memory_space<vmem>>) semaphore(%arg9 : memref<!tpu.dma_semaphore, #tpu.memory_space<semaphore_mem>>)
    %dma_start3A_48 = arith.constant 5 : i32
    %dma_start3A_49 = arith.constant 640 : i32
    %dma_start3A_50 = tpu.memref_slice %arg6[%dma_start3A_49] : memref<1152xf32, #tpu.memory_space<vmem>> -> memref<128xf32, #tpu.memory_space<vmem>>
    %dma_start3A_51 = arith.constant 0 : i32
    %dma_start3A_52 = tpu.memref_slice %arg5[%dma_start3A_48, %dma_start3A_51] : memref<9x128xi32, #tpu.memory_space<vmem>> -> memref<1x128xi32, #tpu.memory_space<vmem>>
    %dma_start3A_53 = tpu.memref_squeeze %dma_start3A_52 : memref<1x128xi32, #tpu.memory_space<vmem>> -> memref<128xi32, #tpu.memory_space<vmem>>
    %dma_start3A_54 = arith.constant 0 : i32
    %dma_start3A_55 = tpu.memref_slice %arg2[%dma_start3A_54] : memref<36601xf32, #tpu.memory_space<hbm>> -> memref<36601xf32, #tpu.memory_space<hbm>>
    tpu.enqueue_indirect_dma source(%dma_start3A_55 : memref<36601xf32, #tpu.memory_space<hbm>>) target(%dma_start3A_50 : memref<128xf32, #tpu.memory_space<vmem>>) offsets(%dma_start3A_53 : memref<128xi32, #tpu.memory_space<vmem>>) semaphore(%arg9 : memref<!tpu.dma_semaphore, #tpu.memory_space<semaphore_mem>>)
    %dma_start3A_56 = arith.constant 6 : i32
    %dma_start3A_57 = arith.constant 768 : i32
    %dma_start3A_58 = tpu.memref_slice %arg6[%dma_start3A_57] : memref<1152xf32, #tpu.memory_space<vmem>> -> memref<128xf32, #tpu.memory_space<vmem>>
    %dma_start3A_59 = arith.constant 0 : i32
    %dma_start3A_60 = tpu.memref_slice %arg5[%dma_start3A_56, %dma_start3A_59] : memref<9x128xi32, #tpu.memory_space<vmem>> -> memref<1x128xi32, #tpu.memory_space<vmem>>
    %dma_start3A_61 = tpu.memref_squeeze %dma_start3A_60 : memref<1x128xi32, #tpu.memory_space<vmem>> -> memref<128xi32, #tpu.memory_space<vmem>>
    %dma_start3A_62 = arith.constant 0 : i32
    %dma_start3A_63 = tpu.memref_slice %arg2[%dma_start3A_62] : memref<36601xf32, #tpu.memory_space<hbm>> -> memref<36601xf32, #tpu.memory_space<hbm>>
    tpu.enqueue_indirect_dma source(%dma_start3A_63 : memref<36601xf32, #tpu.memory_space<hbm>>) target(%dma_start3A_58 : memref<128xf32, #tpu.memory_space<vmem>>) offsets(%dma_start3A_61 : memref<128xi32, #tpu.memory_space<vmem>>) semaphore(%arg9 : memref<!tpu.dma_semaphore, #tpu.memory_space<semaphore_mem>>)
    %dma_start3A_64 = arith.constant 7 : i32
    %dma_start3A_65 = arith.constant 896 : i32
    %dma_start3A_66 = tpu.memref_slice %arg6[%dma_start3A_65] : memref<1152xf32, #tpu.memory_space<vmem>> -> memref<128xf32, #tpu.memory_space<vmem>>
    %dma_start3A_67 = arith.constant 0 : i32
    %dma_start3A_68 = tpu.memref_slice %arg5[%dma_start3A_64, %dma_start3A_67] : memref<9x128xi32, #tpu.memory_space<vmem>> -> memref<1x128xi32, #tpu.memory_space<vmem>>
    %dma_start3A_69 = tpu.memref_squeeze %dma_start3A_68 : memref<1x128xi32, #tpu.memory_space<vmem>> -> memref<128xi32, #tpu.memory_space<vmem>>
    %dma_start3A_70 = arith.constant 0 : i32
    %dma_start3A_71 = tpu.memref_slice %arg2[%dma_start3A_70] : memref<36601xf32, #tpu.memory_space<hbm>> -> memref<36601xf32, #tpu.memory_space<hbm>>
    tpu.enqueue_indirect_dma source(%dma_start3A_71 : memref<36601xf32, #tpu.memory_space<hbm>>) target(%dma_start3A_66 : memref<128xf32, #tpu.memory_space<vmem>>) offsets(%dma_start3A_69 : memref<128xi32, #tpu.memory_space<vmem>>) semaphore(%arg9 : memref<!tpu.dma_semaphore, #tpu.memory_space<semaphore_mem>>)
    %dma_start3A_72 = arith.constant 8 : i32
    %dma_start3A_73 = arith.constant 1024 : i32
    %dma_start3A_74 = tpu.memref_slice %arg6[%dma_start3A_73] : memref<1152xf32, #tpu.memory_space<vmem>> -> memref<128xf32, #tpu.memory_space<vmem>>
    %dma_start3A_75 = arith.constant 0 : i32
    %dma_start3A_76 = tpu.memref_slice %arg5[%dma_start3A_72, %dma_start3A_75] : memref<9x128xi32, #tpu.memory_space<vmem>> -> memref<1x128xi32, #tpu.memory_space<vmem>>
    %dma_start3A_77 = tpu.memref_squeeze %dma_start3A_76 : memref<1x128xi32, #tpu.memory_space<vmem>> -> memref<128xi32, #tpu.memory_space<vmem>>
    %dma_start3A_78 = arith.constant 0 : i32
    %dma_start3A_79 = tpu.memref_slice %arg2[%dma_start3A_78] : memref<36601xf32, #tpu.memory_space<hbm>> -> memref<36601xf32, #tpu.memory_space<hbm>>
    tpu.enqueue_indirect_dma source(%dma_start3A_79 : memref<36601xf32, #tpu.memory_space<hbm>>) target(%dma_start3A_74 : memref<128xf32, #tpu.memory_space<vmem>>) offsets(%dma_start3A_77 : memref<128xi32, #tpu.memory_space<vmem>>) semaphore(%arg9 : memref<!tpu.dma_semaphore, #tpu.memory_space<semaphore_mem>>)
    %dma_wait3A = arith.constant 0 : i32
    %dma_wait3A_80 = arith.constant 0 : i32
    %dma_wait3A_81 = tpu.memref_slice %arg6[%dma_wait3A_80] : memref<1152xf32, #tpu.memory_space<vmem>> -> memref<128xf32, #tpu.memory_space<vmem>>
    %dma_wait3A_82 = arith.constant 0 : i32
    %dma_wait3A_83 = tpu.memref_slice %arg5[%dma_wait3A, %dma_wait3A_82] : memref<9x128xi32, #tpu.memory_space<vmem>> -> memref<1x128xi32, #tpu.memory_space<vmem>>
    %dma_wait3A_84 = tpu.memref_squeeze %dma_wait3A_83 : memref<1x128xi32, #tpu.memory_space<vmem>> -> memref<128xi32, #tpu.memory_space<vmem>>
    %dma_wait3A_85 = arith.constant 0 : i32
    %dma_wait3A_86 = tpu.memref_slice %arg2[%dma_wait3A_85] : memref<36601xf32, #tpu.memory_space<hbm>> -> memref<36601xf32, #tpu.memory_space<hbm>>
    tpu.wait_indirect_dma semaphore(%arg9 : memref<!tpu.dma_semaphore, #tpu.memory_space<semaphore_mem>>) src(%dma_wait3A_86 : memref<36601xf32, #tpu.memory_space<hbm>>) dst(%dma_wait3A_81 : memref<128xf32, #tpu.memory_space<vmem>>)
    %dma_wait3A_87 = arith.constant 1 : i32
    %dma_wait3A_88 = arith.constant 128 : i32
    %dma_wait3A_89 = tpu.memref_slice %arg6[%dma_wait3A_88] : memref<1152xf32, #tpu.memory_space<vmem>> -> memref<128xf32, #tpu.memory_space<vmem>>
    %dma_wait3A_90 = arith.constant 0 : i32
    %dma_wait3A_91 = tpu.memref_slice %arg5[%dma_wait3A_87, %dma_wait3A_90] : memref<9x128xi32, #tpu.memory_space<vmem>> -> memref<1x128xi32, #tpu.memory_space<vmem>>
    %dma_wait3A_92 = tpu.memref_squeeze %dma_wait3A_91 : memref<1x128xi32, #tpu.memory_space<vmem>> -> memref<128xi32, #tpu.memory_space<vmem>>
    %dma_wait3A_93 = arith.constant 0 : i32
    %dma_wait3A_94 = tpu.memref_slice %arg2[%dma_wait3A_93] : memref<36601xf32, #tpu.memory_space<hbm>> -> memref<36601xf32, #tpu.memory_space<hbm>>
    tpu.wait_indirect_dma semaphore(%arg9 : memref<!tpu.dma_semaphore, #tpu.memory_space<semaphore_mem>>) src(%dma_wait3A_94 : memref<36601xf32, #tpu.memory_space<hbm>>) dst(%dma_wait3A_89 : memref<128xf32, #tpu.memory_space<vmem>>)
    %dma_wait3A_95 = arith.constant 2 : i32
    %dma_wait3A_96 = arith.constant 256 : i32
    %dma_wait3A_97 = tpu.memref_slice %arg6[%dma_wait3A_96] : memref<1152xf32, #tpu.memory_space<vmem>> -> memref<128xf32, #tpu.memory_space<vmem>>
    %dma_wait3A_98 = arith.constant 0 : i32
    %dma_wait3A_99 = tpu.memref_slice %arg5[%dma_wait3A_95, %dma_wait3A_98] : memref<9x128xi32, #tpu.memory_space<vmem>> -> memref<1x128xi32, #tpu.memory_space<vmem>>
    %dma_wait3A_100 = tpu.memref_squeeze %dma_wait3A_99 : memref<1x128xi32, #tpu.memory_space<vmem>> -> memref<128xi32, #tpu.memory_space<vmem>>
    %dma_wait3A_101 = arith.constant 0 : i32
    %dma_wait3A_102 = tpu.memref_slice %arg2[%dma_wait3A_101] : memref<36601xf32, #tpu.memory_space<hbm>> -> memref<36601xf32, #tpu.memory_space<hbm>>
    tpu.wait_indirect_dma semaphore(%arg9 : memref<!tpu.dma_semaphore, #tpu.memory_space<semaphore_mem>>) src(%dma_wait3A_102 : memref<36601xf32, #tpu.memory_space<hbm>>) dst(%dma_wait3A_97 : memref<128xf32, #tpu.memory_space<vmem>>)
    %dma_wait3A_103 = arith.constant 3 : i32
    %dma_wait3A_104 = arith.constant 384 : i32
    %dma_wait3A_105 = tpu.memref_slice %arg6[%dma_wait3A_104] : memref<1152xf32, #tpu.memory_space<vmem>> -> memref<128xf32, #tpu.memory_space<vmem>>
    %dma_wait3A_106 = arith.constant 0 : i32
    %dma_wait3A_107 = tpu.memref_slice %arg5[%dma_wait3A_103, %dma_wait3A_106] : memref<9x128xi32, #tpu.memory_space<vmem>> -> memref<1x128xi32, #tpu.memory_space<vmem>>
    %dma_wait3A_108 = tpu.memref_squeeze %dma_wait3A_107 : memref<1x128xi32, #tpu.memory_space<vmem>> -> memref<128xi32, #tpu.memory_space<vmem>>
    %dma_wait3A_109 = arith.constant 0 : i32
    %dma_wait3A_110 = tpu.memref_slice %arg2[%dma_wait3A_109] : memref<36601xf32, #tpu.memory_space<hbm>> -> memref<36601xf32, #tpu.memory_space<hbm>>
    tpu.wait_indirect_dma semaphore(%arg9 : memref<!tpu.dma_semaphore, #tpu.memory_space<semaphore_mem>>) src(%dma_wait3A_110 : memref<36601xf32, #tpu.memory_space<hbm>>) dst(%dma_wait3A_105 : memref<128xf32, #tpu.memory_space<vmem>>)
    %dma_wait3A_111 = arith.constant 4 : i32
    %dma_wait3A_112 = arith.constant 512 : i32
    %dma_wait3A_113 = tpu.memref_slice %arg6[%dma_wait3A_112] : memref<1152xf32, #tpu.memory_space<vmem>> -> memref<128xf32, #tpu.memory_space<vmem>>
    %dma_wait3A_114 = arith.constant 0 : i32
    %dma_wait3A_115 = tpu.memref_slice %arg5[%dma_wait3A_111, %dma_wait3A_114] : memref<9x128xi32, #tpu.memory_space<vmem>> -> memref<1x128xi32, #tpu.memory_space<vmem>>
    %dma_wait3A_116 = tpu.memref_squeeze %dma_wait3A_115 : memref<1x128xi32, #tpu.memory_space<vmem>> -> memref<128xi32, #tpu.memory_space<vmem>>
    %dma_wait3A_117 = arith.constant 0 : i32
    %dma_wait3A_118 = tpu.memref_slice %arg2[%dma_wait3A_117] : memref<36601xf32, #tpu.memory_space<hbm>> -> memref<36601xf32, #tpu.memory_space<hbm>>
    tpu.wait_indirect_dma semaphore(%arg9 : memref<!tpu.dma_semaphore, #tpu.memory_space<semaphore_mem>>) src(%dma_wait3A_118 : memref<36601xf32, #tpu.memory_space<hbm>>) dst(%dma_wait3A_113 : memref<128xf32, #tpu.memory_space<vmem>>)
    %dma_wait3A_119 = arith.constant 5 : i32
    %dma_wait3A_120 = arith.constant 640 : i32
    %dma_wait3A_121 = tpu.memref_slice %arg6[%dma_wait3A_120] : memref<1152xf32, #tpu.memory_space<vmem>> -> memref<128xf32, #tpu.memory_space<vmem>>
    %dma_wait3A_122 = arith.constant 0 : i32
    %dma_wait3A_123 = tpu.memref_slice %arg5[%dma_wait3A_119, %dma_wait3A_122] : memref<9x128xi32, #tpu.memory_space<vmem>> -> memref<1x128xi32, #tpu.memory_space<vmem>>
    %dma_wait3A_124 = tpu.memref_squeeze %dma_wait3A_123 : memref<1x128xi32, #tpu.memory_space<vmem>> -> memref<128xi32, #tpu.memory_space<vmem>>
    %dma_wait3A_125 = arith.constant 0 : i32
    %dma_wait3A_126 = tpu.memref_slice %arg2[%dma_wait3A_125] : memref<36601xf32, #tpu.memory_space<hbm>> -> memref<36601xf32, #tpu.memory_space<hbm>>
    tpu.wait_indirect_dma semaphore(%arg9 : memref<!tpu.dma_semaphore, #tpu.memory_space<semaphore_mem>>) src(%dma_wait3A_126 : memref<36601xf32, #tpu.memory_space<hbm>>) dst(%dma_wait3A_121 : memref<128xf32, #tpu.memory_space<vmem>>)
    %dma_wait3A_127 = arith.constant 6 : i32
    %dma_wait3A_128 = arith.constant 768 : i32
    %dma_wait3A_129 = tpu.memref_slice %arg6[%dma_wait3A_128] : memref<1152xf32, #tpu.memory_space<vmem>> -> memref<128xf32, #tpu.memory_space<vmem>>
    %dma_wait3A_130 = arith.constant 0 : i32
    %dma_wait3A_131 = tpu.memref_slice %arg5[%dma_wait3A_127, %dma_wait3A_130] : memref<9x128xi32, #tpu.memory_space<vmem>> -> memref<1x128xi32, #tpu.memory_space<vmem>>
    %dma_wait3A_132 = tpu.memref_squeeze %dma_wait3A_131 : memref<1x128xi32, #tpu.memory_space<vmem>> -> memref<128xi32, #tpu.memory_space<vmem>>
    %dma_wait3A_133 = arith.constant 0 : i32
    %dma_wait3A_134 = tpu.memref_slice %arg2[%dma_wait3A_133] : memref<36601xf32, #tpu.memory_space<hbm>> -> memref<36601xf32, #tpu.memory_space<hbm>>
    tpu.wait_indirect_dma semaphore(%arg9 : memref<!tpu.dma_semaphore, #tpu.memory_space<semaphore_mem>>) src(%dma_wait3A_134 : memref<36601xf32, #tpu.memory_space<hbm>>) dst(%dma_wait3A_129 : memref<128xf32, #tpu.memory_space<vmem>>)
    %dma_wait3A_135 = arith.constant 7 : i32
    %dma_wait3A_136 = arith.constant 896 : i32
    %dma_wait3A_137 = tpu.memref_slice %arg6[%dma_wait3A_136] : memref<1152xf32, #tpu.memory_space<vmem>> -> memref<128xf32, #tpu.memory_space<vmem>>
    %dma_wait3A_138 = arith.constant 0 : i32
    %dma_wait3A_139 = tpu.memref_slice %arg5[%dma_wait3A_135, %dma_wait3A_138] : memref<9x128xi32, #tpu.memory_space<vmem>> -> memref<1x128xi32, #tpu.memory_space<vmem>>
    %dma_wait3A_140 = tpu.memref_squeeze %dma_wait3A_139 : memref<1x128xi32, #tpu.memory_space<vmem>> -> memref<128xi32, #tpu.memory_space<vmem>>
    %dma_wait3A_141 = arith.constant 0 : i32
    %dma_wait3A_142 = tpu.memref_slice %arg2[%dma_wait3A_141] : memref<36601xf32, #tpu.memory_space<hbm>> -> memref<36601xf32, #tpu.memory_space<hbm>>
    tpu.wait_indirect_dma semaphore(%arg9 : memref<!tpu.dma_semaphore, #tpu.memory_space<semaphore_mem>>) src(%dma_wait3A_142 : memref<36601xf32, #tpu.memory_space<hbm>>) dst(%dma_wait3A_137 : memref<128xf32, #tpu.memory_space<vmem>>)
    %dma_wait3A_143 = arith.constant 8 : i32
    %dma_wait3A_144 = arith.constant 1024 : i32
    %dma_wait3A_145 = tpu.memref_slice %arg6[%dma_wait3A_144] : memref<1152xf32, #tpu.memory_space<vmem>> -> memref<128xf32, #tpu.memory_space<vmem>>
    %dma_wait3A_146 = arith.constant 0 : i32
    %dma_wait3A_147 = tpu.memref_slice %arg5[%dma_wait3A_143, %dma_wait3A_146] : memref<9x128xi32, #tpu.memory_space<vmem>> -> memref<1x128xi32, #tpu.memory_space<vmem>>
    %dma_wait3A_148 = tpu.memref_squeeze %dma_wait3A_147 : memref<1x128xi32, #tpu.memory_space<vmem>> -> memref<128xi32, #tpu.memory_space<vmem>>
    %dma_wait3A_149 = arith.constant 0 : i32
    %dma_wait3A_150 = tpu.memref_slice %arg2[%dma_wait3A_149] : memref<36601xf32, #tpu.memory_space<hbm>> -> memref<36601xf32, #tpu.memory_space<hbm>>
    tpu.wait_indirect_dma semaphore(%arg9 : memref<!tpu.dma_semaphore, #tpu.memory_space<semaphore_mem>>) src(%dma_wait3A_150 : memref<36601xf32, #tpu.memory_space<hbm>>) dst(%dma_wait3A_145 : memref<128xf32, #tpu.memory_space<vmem>>)
    %get3A = arith.constant 0 : index
    %get3A_151 = tpu.vector_load %arg6[%get3A] {strides = array<i32>} : memref<1152xf32, #tpu.memory_space<vmem>>, vector<16xf32>,
    %add3A_152 = arith.constant 9.99999997E-7 : f32
    %add3A_153 = vector.broadcast %add3A_152 : f32 to vector<16xf32>
    %add3A_154 = arith.addf %get3A_151, %add3A_153 : vector<16xf32>
    %div3A = arith.constant 1.000000e+00 : f32
    %div3A_155 = vector.broadcast %div3A : f32 to vector<16xf32>
    %div3A_156 = arith.divf %div3A_155, %add3A_154 : vector<16xf32>
    %swap3A = arith.constant 0 : index
    %swap3A_157 = tpu.vector_load %arg7[%swap3A] {strides = array<i32>} : memref<1152xf32, #tpu.memory_space<vmem>>, vector<16xf32>,
    tpu.vector_store %arg7[%swap3A], %div3A_156 {strides = array<i32>} : memref<1152xf32, #tpu.memory_space<vmem>>, vector<16xf32>,
    %get3A_158 = arith.constant 16 : index
    %get3A_159 = tpu.vector_load %arg6[%get3A_158] {strides = array<i32>} : memref<1152xf32, #tpu.memory_space<vmem>>, vector<16xf32>,
    %add3A_160 = arith.constant 9.99999997E-7 : f32
    %add3A_161 = vector.broadcast %add3A_160 : f32 to vector<16xf32>
    %add3A_162 = arith.addf %get3A_159, %add3A_161 : vector<16xf32>
    %div3A_163 = arith.constant 1.000000e+00 : f32
    %div3A_164 = vector.broadcast %div3A_163 : f32 to vector<16xf32>
    %div3A_165 = arith.divf %div3A_164, %add3A_162 : vector<16xf32>
    %swap3A_166 = arith.constant 16 : index
    %swap3A_167 = tpu.vector_load %arg7[%swap3A_166] {strides = array<i32>} : memref<1152xf32, #tpu.memory_space<vmem>>, vector<16xf32>,
    tpu.vector_store %arg7[%swap3A_166], %div3A_165 {strides = array<i32>} : memref<1152xf32, #tpu.memory_space<vmem>>, vector<16xf32>,
    %get3A_168 = arith.constant 32 : index
    %get3A_169 = tpu.vector_load %arg6[%get3A_168] {strides = array<i32>} : memref<1152xf32, #tpu.memory_space<vmem>>, vector<16xf32>,
    %add3A_170 = arith.constant 9.99999997E-7 : f32
    %add3A_171 = vector.broadcast %add3A_170 : f32 to vector<16xf32>
    %add3A_172 = arith.addf %get3A_169, %add3A_171 : vector<16xf32>
    %div3A_173 = arith.constant 1.000000e+00 : f32
    %div3A_174 = vector.broadcast %div3A_173 : f32 to vector<16xf32>
    %div3A_175 = arith.divf %div3A_174, %add3A_172 : vector<16xf32>
    %swap3A_176 = arith.constant 32 : index
    %swap3A_177 = tpu.vector_load %arg7[%swap3A_176] {strides = array<i32>} : memref<1152xf32, #tpu.memory_space<vmem>>, vector<16xf32>,
    tpu.vector_store %arg7[%swap3A_176], %div3A_175 {strides = array<i32>} : memref<1152xf32, #tpu.memory_space<vmem>>, vector<16xf32>,
    %get3A_178 = arith.constant 48 : index
    %get3A_179 = tpu.vector_load %arg6[%get3A_178] {strides = array<i32>} : memref<1152xf32, #tpu.memory_space<vmem>>, vector<16xf32>,
    %add3A_180 = arith.constant 9.99999997E-7 : f32
    %add3A_181 = vector.broadcast %add3A_180 : f32 to vector<16xf32>
    %add3A_182 = arith.addf %get3A_179, %add3A_181 : vector<16xf32>
    %div3A_183 = arith.constant 1.000000e+00 : f32
    %div3A_184 = vector.broadcast %div3A_183 : f32 to vector<16xf32>
    %div3A_185 = arith.divf %div3A_184, %add3A_182 : vector<16xf32>
    %swap3A_186 = arith.constant 48 : index
    %swap3A_187 = tpu.vector_load %arg7[%swap3A_186] {strides = array<i32>} : memref<1152xf32, #tpu.memory_space<vmem>>, vector<16xf32>,
    tpu.vector_store %arg7[%swap3A_186], %div3A_185 {strides = array<i32>} : memref<1152xf32, #tpu.memory_space<vmem>>, vector<16xf32>,
    %get3A_188 = arith.constant 64 : index
    %get3A_189 = tpu.vector_load %arg6[%get3A_188] {strides = array<i32>} : memref<1152xf32, #tpu.memory_space<vmem>>, vector<16xf32>,
    %add3A_190 = arith.constant 9.99999997E-7 : f32
    %add3A_191 = vector.broadcast %add3A_190 : f32 to vector<16xf32>
    %add3A_192 = arith.addf %get3A_189, %add3A_191 : vector<16xf32>
    %div3A_193 = arith.constant 1.000000e+00 : f32
    %div3A_194 = vector.broadcast %div3A_193 : f32 to vector<16xf32>
    %div3A_195 = arith.divf %div3A_194, %add3A_192 : vector<16xf32>
    %swap3A_196 = arith.constant 64 : index
    %swap3A_197 = tpu.vector_load %arg7[%swap3A_196] {strides = array<i32>} : memref<1152xf32, #tpu.memory_space<vmem>>, vector<16xf32>,
    tpu.vector_store %arg7[%swap3A_196], %div3A_195 {strides = array<i32>} : memref<1152xf32, #tpu.memory_space<vmem>>, vector<16xf32>,
    %get3A_198 = arith.constant 80 : index
    %get3A_199 = tpu.vector_load %arg6[%get3A_198] {strides = array<i32>} : memref<1152xf32, #tpu.memory_space<vmem>>, vector<16xf32>,
    %add3A_200 = arith.constant 9.99999997E-7 : f32
    %add3A_201 = vector.broadcast %add3A_200 : f32 to vector<16xf32>
    %add3A_202 = arith.addf %get3A_199, %add3A_201 : vector<16xf32>
    %div3A_203 = arith.constant 1.000000e+00 : f32
    %div3A_204 = vector.broadcast %div3A_203 : f32 to vector<16xf32>
    %div3A_205 = arith.divf %div3A_204, %add3A_202 : vector<16xf32>
    %swap3A_206 = arith.constant 80 : index
    %swap3A_207 = tpu.vector_load %arg7[%swap3A_206] {strides = array<i32>} : memref<1152xf32, #tpu.memory_space<vmem>>, vector<16xf32>,
    tpu.vector_store %arg7[%swap3A_206], %div3A_205 {strides = array<i32>} : memref<1152xf32, #tpu.memory_space<vmem>>, vector<16xf32>,
    %get3A_208 = arith.constant 96 : index
    %get3A_209 = tpu.vector_load %arg6[%get3A_208] {strides = array<i32>} : memref<1152xf32, #tpu.memory_space<vmem>>, vector<16xf32>,
    %add3A_210 = arith.constant 9.99999997E-7 : f32
    %add3A_211 = vector.broadcast %add3A_210 : f32 to vector<16xf32>
    %add3A_212 = arith.addf %get3A_209, %add3A_211 : vector<16xf32>
    %div3A_213 = arith.constant 1.000000e+00 : f32
    %div3A_214 = vector.broadcast %div3A_213 : f32 to vector<16xf32>
    %div3A_215 = arith.divf %div3A_214, %add3A_212 : vector<16xf32>
    %swap3A_216 = arith.constant 96 : index
    %swap3A_217 = tpu.vector_load %arg7[%swap3A_216] {strides = array<i32>} : memref<1152xf32, #tpu.memory_space<vmem>>, vector<16xf32>,
    tpu.vector_store %arg7[%swap3A_216], %div3A_215 {strides = array<i32>} : memref<1152xf32, #tpu.memory_space<vmem>>, vector<16xf32>,
    %get3A_218 = arith.constant 112 : index
    %get3A_219 = tpu.vector_load %arg6[%get3A_218] {strides = array<i32>} : memref<1152xf32, #tpu.memory_space<vmem>>, vector<16xf32>,
    %add3A_220 = arith.constant 9.99999997E-7 : f32
    %add3A_221 = vector.broadcast %add3A_220 : f32 to vector<16xf32>
    %add3A_222 = arith.addf %get3A_219, %add3A_221 : vector<16xf32>
    %div3A_223 = arith.constant 1.000000e+00 : f32
    %div3A_224 = vector.broadcast %div3A_223 : f32 to vector<16xf32>
    %div3A_225 = arith.divf %div3A_224, %add3A_222 : vector<16xf32>
    %swap3A_226 = arith.constant 112 : index
    %swap3A_227 = tpu.vector_load %arg7[%swap3A_226] {strides = array<i32>} : memref<1152xf32, #tpu.memory_space<vmem>>, vector<16xf32>,
    tpu.vector_store %arg7[%swap3A_226], %div3A_225 {strides = array<i32>} : memref<1152xf32, #tpu.memory_space<vmem>>, vector<16xf32>,
    %get3A_228 = arith.constant 128 : index
    %get3A_229 = tpu.vector_load %arg6[%get3A_228] {strides = array<i32>} : memref<1152xf32, #tpu.memory_space<vmem>>, vector<16xf32>,
    %add3A_230 = arith.constant 9.99999997E-7 : f32
    %add3A_231 = vector.broadcast %add3A_230 : f32 to vector<16xf32>
    %add3A_232 = arith.addf %get3A_229, %add3A_231 : vector<16xf32>
    %div3A_233 = arith.constant 1.000000e+00 : f32
    %div3A_234 = vector.broadcast %div3A_233 : f32 to vector<16xf32>
    %div3A_235 = arith.divf %div3A_234, %add3A_232 : vector<16xf32>
    %swap3A_236 = arith.constant 128 : index
    %swap3A_237 = tpu.vector_load %arg7[%swap3A_236] {strides = array<i32>} : memref<1152xf32, #tpu.memory_space<vmem>>, vector<16xf32>,
    tpu.vector_store %arg7[%swap3A_236], %div3A_235 {strides = array<i32>} : memref<1152xf32, #tpu.memory_space<vmem>>, vector<16xf32>,
    %get3A_238 = arith.constant 144 : index
    %get3A_239 = tpu.vector_load %arg6[%get3A_238] {strides = array<i32>} : memref<1152xf32, #tpu.memory_space<vmem>>, vector<16xf32>,
    %add3A_240 = arith.constant 9.99999997E-7 : f32
    %add3A_241 = vector.broadcast %add3A_240 : f32 to vector<16xf32>
    %add3A_242 = arith.addf %get3A_239, %add3A_241 : vector<16xf32>
    %div3A_243 = arith.constant 1.000000e+00 : f32
    %div3A_244 = vector.broadcast %div3A_243 : f32 to vector<16xf32>
    %div3A_245 = arith.divf %div3A_244, %add3A_242 : vector<16xf32>
    %swap3A_246 = arith.constant 144 : index
    %swap3A_247 = tpu.vector_load %arg7[%swap3A_246] {strides = array<i32>} : memref<1152xf32, #tpu.memory_space<vmem>>, vector<16xf32>,
    tpu.vector_store %arg7[%swap3A_246], %div3A_245 {strides = array<i32>} : memref<1152xf32, #tpu.memory_space<vmem>>, vector<16xf32>,
    %get3A_248 = arith.constant 160 : index
    %get3A_249 = tpu.vector_load %arg6[%get3A_248] {strides = array<i32>} : memref<1152xf32, #tpu.memory_space<vmem>>, vector<16xf32>,
    %add3A_250 = arith.constant 9.99999997E-7 : f32
    %add3A_251 = vector.broadcast %add3A_250 : f32 to vector<16xf32>
    %add3A_252 = arith.addf %get3A_249, %add3A_251 : vector<16xf32>
    %div3A_253 = arith.constant 1.000000e+00 : f32
    %div3A_254 = vector.broadcast %div3A_253 : f32 to vector<16xf32>
    %div3A_255 = arith.divf %div3A_254, %add3A_252 : vector<16xf32>
    %swap3A_256 = arith.constant 160 : index
    %swap3A_257 = tpu.vector_load %arg7[%swap3A_256] {strides = array<i32>} : memref<1152xf32, #tpu.memory_space<vmem>>, vector<16xf32>,
    tpu.vector_store %arg7[%swap3A_256], %div3A_255 {strides = array<i32>} : memref<1152xf32, #tpu.memory_space<vmem>>, vector<16xf32>,
    %get3A_258 = arith.constant 176 : index
    %get3A_259 = tpu.vector_load %arg6[%get3A_258] {strides = array<i32>} : memref<1152xf32, #tpu.memory_space<vmem>>, vector<16xf32>,
    %add3A_260 = arith.constant 9.99999997E-7 : f32
    %add3A_261 = vector.broadcast %add3A_260 : f32 to vector<16xf32>
    %add3A_262 = arith.addf %get3A_259, %add3A_261 : vector<16xf32>
    %div3A_263 = arith.constant 1.000000e+00 : f32
    %div3A_264 = vector.broadcast %div3A_263 : f32 to vector<16xf32>
    %div3A_265 = arith.divf %div3A_264, %add3A_262 : vector<16xf32>
    %swap3A_266 = arith.constant 176 : index
    %swap3A_267 = tpu.vector_load %arg7[%swap3A_266] {strides = array<i32>} : memref<1152xf32, #tpu.memory_space<vmem>>, vector<16xf32>,
    tpu.vector_store %arg7[%swap3A_266], %div3A_265 {strides = array<i32>} : memref<1152xf32, #tpu.memory_space<vmem>>, vector<16xf32>,
    %get3A_268 = arith.constant 192 : index
    %get3A_269 = tpu.vector_load %arg6[%get3A_268] {strides = array<i32>} : memref<1152xf32, #tpu.memory_space<vmem>>, vector<16xf32>,
    %add3A_270 = arith.constant 9.99999997E-7 : f32
    %add3A_271 = vector.broadcast %add3A_270 : f32 to vector<16xf32>
    %add3A_272 = arith.addf %get3A_269, %add3A_271 : vector<16xf32>
    %div3A_273 = arith.constant 1.000000e+00 : f32
    %div3A_274 = vector.broadcast %div3A_273 : f32 to vector<16xf32>
    %div3A_275 = arith.divf %div3A_274, %add3A_272 : vector<16xf32>
    %swap3A_276 = arith.constant 192 : index
    %swap3A_277 = tpu.vector_load %arg7[%swap3A_276] {strides = array<i32>} : memref<1152xf32, #tpu.memory_space<vmem>>, vector<16xf32>,
    tpu.vector_store %arg7[%swap3A_276], %div3A_275 {strides = array<i32>} : memref<1152xf32, #tpu.memory_space<vmem>>, vector<16xf32>,
    %get3A_278 = arith.constant 208 : index
    %get3A_279 = tpu.vector_load %arg6[%get3A_278] {strides = array<i32>} : memref<1152xf32, #tpu.memory_space<vmem>>, vector<16xf32>,
    %add3A_280 = arith.constant 9.99999997E-7 : f32
    %add3A_281 = vector.broadcast %add3A_280 : f32 to vector<16xf32>
    %add3A_282 = arith.addf %get3A_279, %add3A_281 : vector<16xf32>
    %div3A_283 = arith.constant 1.000000e+00 : f32
    %div3A_284 = vector.broadcast %div3A_283 : f32 to vector<16xf32>
    %div3A_285 = arith.divf %div3A_284, %add3A_282 : vector<16xf32>
    %swap3A_286 = arith.constant 208 : index
    %swap3A_287 = tpu.vector_load %arg7[%swap3A_286] {strides = array<i32>} : memref<1152xf32, #tpu.memory_space<vmem>>, vector<16xf32>,
    tpu.vector_store %arg7[%swap3A_286], %div3A_285 {strides = array<i32>} : memref<1152xf32, #tpu.memory_space<vmem>>, vector<16xf32>,
    %get3A_288 = arith.constant 224 : index
    %get3A_289 = tpu.vector_load %arg6[%get3A_288] {strides = array<i32>} : memref<1152xf32, #tpu.memory_space<vmem>>, vector<16xf32>,
    %add3A_290 = arith.constant 9.99999997E-7 : f32
    %add3A_291 = vector.broadcast %add3A_290 : f32 to vector<16xf32>
    %add3A_292 = arith.addf %get3A_289, %add3A_291 : vector<16xf32>
    %div3A_293 = arith.constant 1.000000e+00 : f32
    %div3A_294 = vector.broadcast %div3A_293 : f32 to vector<16xf32>
    %div3A_295 = arith.divf %div3A_294, %add3A_292 : vector<16xf32>
    %swap3A_296 = arith.constant 224 : index
    %swap3A_297 = tpu.vector_load %arg7[%swap3A_296] {strides = array<i32>} : memref<1152xf32, #tpu.memory_space<vmem>>, vector<16xf32>,
    tpu.vector_store %arg7[%swap3A_296], %div3A_295 {strides = array<i32>} : memref<1152xf32, #tpu.memory_space<vmem>>, vector<16xf32>,
    %get3A_298 = arith.constant 240 : index
    %get3A_299 = tpu.vector_load %arg6[%get3A_298] {strides = array<i32>} : memref<1152xf32, #tpu.memory_space<vmem>>, vector<16xf32>,
    %add3A_300 = arith.constant 9.99999997E-7 : f32
    %add3A_301 = vector.broadcast %add3A_300 : f32 to vector<16xf32>
    %add3A_302 = arith.addf %get3A_299, %add3A_301 : vector<16xf32>
    %div3A_303 = arith.constant 1.000000e+00 : f32
    %div3A_304 = vector.broadcast %div3A_303 : f32 to vector<16xf32>
    %div3A_305 = arith.divf %div3A_304, %add3A_302 : vector<16xf32>
    %swap3A_306 = arith.constant 240 : index
    %swap3A_307 = tpu.vector_load %arg7[%swap3A_306] {strides = array<i32>} : memref<1152xf32, #tpu.memory_space<vmem>>, vector<16xf32>,
    tpu.vector_store %arg7[%swap3A_306], %div3A_305 {strides = array<i32>} : memref<1152xf32, #tpu.memory_space<vmem>>, vector<16xf32>,
    %get3A_308 = arith.constant 256 : index
    %get3A_309 = tpu.vector_load %arg6[%get3A_308] {strides = array<i32>} : memref<1152xf32, #tpu.memory_space<vmem>>, vector<16xf32>,
    %add3A_310 = arith.constant 9.99999997E-7 : f32
    %add3A_311 = vector.broadcast %add3A_310 : f32 to vector<16xf32>
    %add3A_312 = arith.addf %get3A_309, %add3A_311 : vector<16xf32>
    %div3A_313 = arith.constant 1.000000e+00 : f32
    %div3A_314 = vector.broadcast %div3A_313 : f32 to vector<16xf32>
    %div3A_315 = arith.divf %div3A_314, %add3A_312 : vector<16xf32>
    %swap3A_316 = arith.constant 256 : index
    %swap3A_317 = tpu.vector_load %arg7[%swap3A_316] {strides = array<i32>} : memref<1152xf32, #tpu.memory_space<vmem>>, vector<16xf32>,
    tpu.vector_store %arg7[%swap3A_316], %div3A_315 {strides = array<i32>} : memref<1152xf32, #tpu.memory_space<vmem>>, vector<16xf32>,
    %get3A_318 = arith.constant 272 : index
    %get3A_319 = tpu.vector_load %arg6[%get3A_318] {strides = array<i32>} : memref<1152xf32, #tpu.memory_space<vmem>>, vector<16xf32>,
    %add3A_320 = arith.constant 9.99999997E-7 : f32
    %add3A_321 = vector.broadcast %add3A_320 : f32 to vector<16xf32>
    %add3A_322 = arith.addf %get3A_319, %add3A_321 : vector<16xf32>
    %div3A_323 = arith.constant 1.000000e+00 : f32
    %div3A_324 = vector.broadcast %div3A_323 : f32 to vector<16xf32>
    %div3A_325 = arith.divf %div3A_324, %add3A_322 : vector<16xf32>
    %swap3A_326 = arith.constant 272 : index
    %swap3A_327 = tpu.vector_load %arg7[%swap3A_326] {strides = array<i32>} : memref<1152xf32, #tpu.memory_space<vmem>>, vector<16xf32>,
    tpu.vector_store %arg7[%swap3A_326], %div3A_325 {strides = array<i32>} : memref<1152xf32, #tpu.memory_space<vmem>>, vector<16xf32>,
    %get3A_328 = arith.constant 288 : index
    %get3A_329 = tpu.vector_load %arg6[%get3A_328] {strides = array<i32>} : memref<1152xf32, #tpu.memory_space<vmem>>, vector<16xf32>,
    %add3A_330 = arith.constant 9.99999997E-7 : f32
    %add3A_331 = vector.broadcast %add3A_330 : f32 to vector<16xf32>
    %add3A_332 = arith.addf %get3A_329, %add3A_331 : vector<16xf32>
    %div3A_333 = arith.constant 1.000000e+00 : f32
    %div3A_334 = vector.broadcast %div3A_333 : f32 to vector<16xf32>
    %div3A_335 = arith.divf %div3A_334, %add3A_332 : vector<16xf32>
    %swap3A_336 = arith.constant 288 : index
    %swap3A_337 = tpu.vector_load %arg7[%swap3A_336] {strides = array<i32>} : memref<1152xf32, #tpu.memory_space<vmem>>, vector<16xf32>,
    tpu.vector_store %arg7[%swap3A_336], %div3A_335 {strides = array<i32>} : memref<1152xf32, #tpu.memory_space<vmem>>, vector<16xf32>,
    %get3A_338 = arith.constant 304 : index
    %get3A_339 = tpu.vector_load %arg6[%get3A_338] {strides = array<i32>} : memref<1152xf32, #tpu.memory_space<vmem>>, vector<16xf32>,
    %add3A_340 = arith.constant 9.99999997E-7 : f32
    %add3A_341 = vector.broadcast %add3A_340 : f32 to vector<16xf32>
    %add3A_342 = arith.addf %get3A_339, %add3A_341 : vector<16xf32>
    %div3A_343 = arith.constant 1.000000e+00 : f32
    %div3A_344 = vector.broadcast %div3A_343 : f32 to vector<16xf32>
    %div3A_345 = arith.divf %div3A_344, %add3A_342 : vector<16xf32>
    %swap3A_346 = arith.constant 304 : index
    %swap3A_347 = tpu.vector_load %arg7[%swap3A_346] {strides = array<i32>} : memref<1152xf32, #tpu.memory_space<vmem>>, vector<16xf32>,
    tpu.vector_store %arg7[%swap3A_346], %div3A_345 {strides = array<i32>} : memref<1152xf32, #tpu.memory_space<vmem>>, vector<16xf32>,
    %get3A_348 = arith.constant 320 : index
    %get3A_349 = tpu.vector_load %arg6[%get3A_348] {strides = array<i32>} : memref<1152xf32, #tpu.memory_space<vmem>>, vector<16xf32>,
    %add3A_350 = arith.constant 9.99999997E-7 : f32
    %add3A_351 = vector.broadcast %add3A_350 : f32 to vector<16xf32>
    %add3A_352 = arith.addf %get3A_349, %add3A_351 : vector<16xf32>
    %div3A_353 = arith.constant 1.000000e+00 : f32
    %div3A_354 = vector.broadcast %div3A_353 : f32 to vector<16xf32>
    %div3A_355 = arith.divf %div3A_354, %add3A_352 : vector<16xf32>
    %swap3A_356 = arith.constant 320 : index
    %swap3A_357 = tpu.vector_load %arg7[%swap3A_356] {strides = array<i32>} : memref<1152xf32, #tpu.memory_space<vmem>>, vector<16xf32>,
    tpu.vector_store %arg7[%swap3A_356], %div3A_355 {strides = array<i32>} : memref<1152xf32, #tpu.memory_space<vmem>>, vector<16xf32>,
    %get3A_358 = arith.constant 336 : index
    %get3A_359 = tpu.vector_load %arg6[%get3A_358] {strides = array<i32>} : memref<1152xf32, #tpu.memory_space<vmem>>, vector<16xf32>,
    %add3A_360 = arith.constant 9.99999997E-7 : f32
    %add3A_361 = vector.broadcast %add3A_360 : f32 to vector<16xf32>
    %add3A_362 = arith.addf %get3A_359, %add3A_361 : vector<16xf32>
    %div3A_363 = arith.constant 1.000000e+00 : f32
    %div3A_364 = vector.broadcast %div3A_363 : f32 to vector<16xf32>
    %div3A_365 = arith.divf %div3A_364, %add3A_362 : vector<16xf32>
    %swap3A_366 = arith.constant 336 : index
    %swap3A_367 = tpu.vector_load %arg7[%swap3A_366] {strides = array<i32>} : memref<1152xf32, #tpu.memory_space<vmem>>, vector<16xf32>,
    tpu.vector_store %arg7[%swap3A_366], %div3A_365 {strides = array<i32>} : memref<1152xf32, #tpu.memory_space<vmem>>, vector<16xf32>,
    %get3A_368 = arith.constant 352 : index
    %get3A_369 = tpu.vector_load %arg6[%get3A_368] {strides = array<i32>} : memref<1152xf32, #tpu.memory_space<vmem>>, vector<16xf32>,
    %add3A_370 = arith.constant 9.99999997E-7 : f32
    %add3A_371 = vector.broadcast %add3A_370 : f32 to vector<16xf32>
    %add3A_372 = arith.addf %get3A_369, %add3A_371 : vector<16xf32>
    %div3A_373 = arith.constant 1.000000e+00 : f32
    %div3A_374 = vector.broadcast %div3A_373 : f32 to vector<16xf32>
    %div3A_375 = arith.divf %div3A_374, %add3A_372 : vector<16xf32>
    %swap3A_376 = arith.constant 352 : index
    %swap3A_377 = tpu.vector_load %arg7[%swap3A_376] {strides = array<i32>} : memref<1152xf32, #tpu.memory_space<vmem>>, vector<16xf32>,
    tpu.vector_store %arg7[%swap3A_376], %div3A_375 {strides = array<i32>} : memref<1152xf32, #tpu.memory_space<vmem>>, vector<16xf32>,
    %get3A_378 = arith.constant 368 : index
    %get3A_379 = tpu.vector_load %arg6[%get3A_378] {strides = array<i32>} : memref<1152xf32, #tpu.memory_space<vmem>>, vector<16xf32>,
    %add3A_380 = arith.constant 9.99999997E-7 : f32
    %add3A_381 = vector.broadcast %add3A_380 : f32 to vector<16xf32>
    %add3A_382 = arith.addf %get3A_379, %add3A_381 : vector<16xf32>
    %div3A_383 = arith.constant 1.000000e+00 : f32
    %div3A_384 = vector.broadcast %div3A_383 : f32 to vector<16xf32>
    %div3A_385 = arith.divf %div3A_384, %add3A_382 : vector<16xf32>
    %swap3A_386 = arith.constant 368 : index
    %swap3A_387 = tpu.vector_load %arg7[%swap3A_386] {strides = array<i32>} : memref<1152xf32, #tpu.memory_space<vmem>>, vector<16xf32>,
    tpu.vector_store %arg7[%swap3A_386], %div3A_385 {strides = array<i32>} : memref<1152xf32, #tpu.memory_space<vmem>>, vector<16xf32>,
    %get3A_388 = arith.constant 384 : index
    %get3A_389 = tpu.vector_load %arg6[%get3A_388] {strides = array<i32>} : memref<1152xf32, #tpu.memory_space<vmem>>, vector<16xf32>,
    %add3A_390 = arith.constant 9.99999997E-7 : f32
    %add3A_391 = vector.broadcast %add3A_390 : f32 to vector<16xf32>
    %add3A_392 = arith.addf %get3A_389, %add3A_391 : vector<16xf32>
    %div3A_393 = arith.constant 1.000000e+00 : f32
    %div3A_394 = vector.broadcast %div3A_393 : f32 to vector<16xf32>
    %div3A_395 = arith.divf %div3A_394, %add3A_392 : vector<16xf32>
    %swap3A_396 = arith.constant 384 : index
    %swap3A_397 = tpu.vector_load %arg7[%swap3A_396] {strides = array<i32>} : memref<1152xf32, #tpu.memory_space<vmem>>, vector<16xf32>,
    tpu.vector_store %arg7[%swap3A_396], %div3A_395 {strides = array<i32>} : memref<1152xf32, #tpu.memory_space<vmem>>, vector<16xf32>,
    %get3A_398 = arith.constant 400 : index
    %get3A_399 = tpu.vector_load %arg6[%get3A_398] {strides = array<i32>} : memref<1152xf32, #tpu.memory_space<vmem>>, vector<16xf32>,
    %add3A_400 = arith.constant 9.99999997E-7 : f32
    %add3A_401 = vector.broadcast %add3A_400 : f32 to vector<16xf32>
    %add3A_402 = arith.addf %get3A_399, %add3A_401 : vector<16xf32>
    %div3A_403 = arith.constant 1.000000e+00 : f32
    %div3A_404 = vector.broadcast %div3A_403 : f32 to vector<16xf32>
    %div3A_405 = arith.divf %div3A_404, %add3A_402 : vector<16xf32>
    %swap3A_406 = arith.constant 400 : index
    %swap3A_407 = tpu.vector_load %arg7[%swap3A_406] {strides = array<i32>} : memref<1152xf32, #tpu.memory_space<vmem>>, vector<16xf32>,
    tpu.vector_store %arg7[%swap3A_406], %div3A_405 {strides = array<i32>} : memref<1152xf32, #tpu.memory_space<vmem>>, vector<16xf32>,
    %get3A_408 = arith.constant 416 : index
    %get3A_409 = tpu.vector_load %arg6[%get3A_408] {strides = array<i32>} : memref<1152xf32, #tpu.memory_space<vmem>>, vector<16xf32>,
    %add3A_410 = arith.constant 9.99999997E-7 : f32
    %add3A_411 = vector.broadcast %add3A_410 : f32 to vector<16xf32>
    %add3A_412 = arith.addf %get3A_409, %add3A_411 : vector<16xf32>
    %div3A_413 = arith.constant 1.000000e+00 : f32
    %div3A_414 = vector.broadcast %div3A_413 : f32 to vector<16xf32>
    %div3A_415 = arith.divf %div3A_414, %add3A_412 : vector<16xf32>
    %swap3A_416 = arith.constant 416 : index
    %swap3A_417 = tpu.vector_load %arg7[%swap3A_416] {strides = array<i32>} : memref<1152xf32, #tpu.memory_space<vmem>>, vector<16xf32>,
    tpu.vector_store %arg7[%swap3A_416], %div3A_415 {strides = array<i32>} : memref<1152xf32, #tpu.memory_space<vmem>>, vector<16xf32>,
    %get3A_418 = arith.constant 432 : index
    %get3A_419 = tpu.vector_load %arg6[%get3A_418] {strides = array<i32>} : memref<1152xf32, #tpu.memory_space<vmem>>, vector<16xf32>,
    %add3A_420 = arith.constant 9.99999997E-7 : f32
    %add3A_421 = vector.broadcast %add3A_420 : f32 to vector<16xf32>
    %add3A_422 = arith.addf %get3A_419, %add3A_421 : vector<16xf32>
    %div3A_423 = arith.constant 1.000000e+00 : f32
    %div3A_424 = vector.broadcast %div3A_423 : f32 to vector<16xf32>
    %div3A_425 = arith.divf %div3A_424, %add3A_422 : vector<16xf32>
    %swap3A_426 = arith.constant 432 : index
    %swap3A_427 = tpu.vector_load %arg7[%swap3A_426] {strides = array<i32>} : memref<1152xf32, #tpu.memory_space<vmem>>, vector<16xf32>,
    tpu.vector_store %arg7[%swap3A_426], %div3A_425 {strides = array<i32>} : memref<1152xf32, #tpu.memory_space<vmem>>, vector<16xf32>,
    %get3A_428 = arith.constant 448 : index
    %get3A_429 = tpu.vector_load %arg6[%get3A_428] {strides = array<i32>} : memref<1152xf32, #tpu.memory_space<vmem>>, vector<16xf32>,
    %add3A_430 = arith.constant 9.99999997E-7 : f32
    %add3A_431 = vector.broadcast %add3A_430 : f32 to vector<16xf32>
    %add3A_432 = arith.addf %get3A_429, %add3A_431 : vector<16xf32>
    %div3A_433 = arith.constant 1.000000e+00 : f32
    %div3A_434 = vector.broadcast %div3A_433 : f32 to vector<16xf32>
    %div3A_435 = arith.divf %div3A_434, %add3A_432 : vector<16xf32>
    %swap3A_436 = arith.constant 448 : index
    %swap3A_437 = tpu.vector_load %arg7[%swap3A_436] {strides = array<i32>} : memref<1152xf32, #tpu.memory_space<vmem>>, vector<16xf32>,
    tpu.vector_store %arg7[%swap3A_436], %div3A_435 {strides = array<i32>} : memref<1152xf32, #tpu.memory_space<vmem>>, vector<16xf32>,
    %get3A_438 = arith.constant 464 : index
    %get3A_439 = tpu.vector_load %arg6[%get3A_438] {strides = array<i32>} : memref<1152xf32, #tpu.memory_space<vmem>>, vector<16xf32>,
    %add3A_440 = arith.constant 9.99999997E-7 : f32
    %add3A_441 = vector.broadcast %add3A_440 : f32 to vector<16xf32>
    %add3A_442 = arith.addf %get3A_439, %add3A_441 : vector<16xf32>
    %div3A_443 = arith.constant 1.000000e+00 : f32
    %div3A_444 = vector.broadcast %div3A_443 : f32 to vector<16xf32>
    %div3A_445 = arith.divf %div3A_444, %add3A_442 : vector<16xf32>
    %swap3A_446 = arith.constant 464 : index
    %swap3A_447 = tpu.vector_load %arg7[%swap3A_446] {strides = array<i32>} : memref<1152xf32, #tpu.memory_space<vmem>>, vector<16xf32>,
    tpu.vector_store %arg7[%swap3A_446], %div3A_445 {strides = array<i32>} : memref<1152xf32, #tpu.memory_space<vmem>>, vector<16xf32>,
    %get3A_448 = arith.constant 480 : index
    %get3A_449 = tpu.vector_load %arg6[%get3A_448] {strides = array<i32>} : memref<1152xf32, #tpu.memory_space<vmem>>, vector<16xf32>,
    %add3A_450 = arith.constant 9.99999997E-7 : f32
    %add3A_451 = vector.broadcast %add3A_450 : f32 to vector<16xf32>
    %add3A_452 = arith.addf %get3A_449, %add3A_451 : vector<16xf32>
    %div3A_453 = arith.constant 1.000000e+00 : f32
    %div3A_454 = vector.broadcast %div3A_453 : f32 to vector<16xf32>
    %div3A_455 = arith.divf %div3A_454, %add3A_452 : vector<16xf32>
    %swap3A_456 = arith.constant 480 : index
    %swap3A_457 = tpu.vector_load %arg7[%swap3A_456] {strides = array<i32>} : memref<1152xf32, #tpu.memory_space<vmem>>, vector<16xf32>,
    tpu.vector_store %arg7[%swap3A_456], %div3A_455 {strides = array<i32>} : memref<1152xf32, #tpu.memory_space<vmem>>, vector<16xf32>,
    %get3A_458 = arith.constant 496 : index
    %get3A_459 = tpu.vector_load %arg6[%get3A_458] {strides = array<i32>} : memref<1152xf32, #tpu.memory_space<vmem>>, vector<16xf32>,
    %add3A_460 = arith.constant 9.99999997E-7 : f32
    %add3A_461 = vector.broadcast %add3A_460 : f32 to vector<16xf32>
    %add3A_462 = arith.addf %get3A_459, %add3A_461 : vector<16xf32>
    %div3A_463 = arith.constant 1.000000e+00 : f32
    %div3A_464 = vector.broadcast %div3A_463 : f32 to vector<16xf32>
    %div3A_465 = arith.divf %div3A_464, %add3A_462 : vector<16xf32>
    %swap3A_466 = arith.constant 496 : index
    %swap3A_467 = tpu.vector_load %arg7[%swap3A_466] {strides = array<i32>} : memref<1152xf32, #tpu.memory_space<vmem>>, vector<16xf32>,
    tpu.vector_store %arg7[%swap3A_466], %div3A_465 {strides = array<i32>} : memref<1152xf32, #tpu.memory_space<vmem>>, vector<16xf32>,
    %get3A_468 = arith.constant 512 : index
    %get3A_469 = tpu.vector_load %arg6[%get3A_468] {strides = array<i32>} : memref<1152xf32, #tpu.memory_space<vmem>>, vector<16xf32>,
    %add3A_470 = arith.constant 9.99999997E-7 : f32
    %add3A_471 = vector.broadcast %add3A_470 : f32 to vector<16xf32>
    %add3A_472 = arith.addf %get3A_469, %add3A_471 : vector<16xf32>
    %div3A_473 = arith.constant 1.000000e+00 : f32
    %div3A_474 = vector.broadcast %div3A_473 : f32 to vector<16xf32>
    %div3A_475 = arith.divf %div3A_474, %add3A_472 : vector<16xf32>
    %swap3A_476 = arith.constant 512 : index
    %swap3A_477 = tpu.vector_load %arg7[%swap3A_476] {strides = array<i32>} : memref<1152xf32, #tpu.memory_space<vmem>>, vector<16xf32>,
    tpu.vector_store %arg7[%swap3A_476], %div3A_475 {strides = array<i32>} : memref<1152xf32, #tpu.memory_space<vmem>>, vector<16xf32>,
    %get3A_478 = arith.constant 528 : index
    %get3A_479 = tpu.vector_load %arg6[%get3A_478] {strides = array<i32>} : memref<1152xf32, #tpu.memory_space<vmem>>, vector<16xf32>,
    %add3A_480 = arith.constant 9.99999997E-7 : f32
    %add3A_481 = vector.broadcast %add3A_480 : f32 to vector<16xf32>
    %add3A_482 = arith.addf %get3A_479, %add3A_481 : vector<16xf32>
    %div3A_483 = arith.constant 1.000000e+00 : f32
    %div3A_484 = vector.broadcast %div3A_483 : f32 to vector<16xf32>
    %div3A_485 = arith.divf %div3A_484, %add3A_482 : vector<16xf32>
    %swap3A_486 = arith.constant 528 : index
    %swap3A_487 = tpu.vector_load %arg7[%swap3A_486] {strides = array<i32>} : memref<1152xf32, #tpu.memory_space<vmem>>, vector<16xf32>,
    tpu.vector_store %arg7[%swap3A_486], %div3A_485 {strides = array<i32>} : memref<1152xf32, #tpu.memory_space<vmem>>, vector<16xf32>,
    %get3A_488 = arith.constant 544 : index
    %get3A_489 = tpu.vector_load %arg6[%get3A_488] {strides = array<i32>} : memref<1152xf32, #tpu.memory_space<vmem>>, vector<16xf32>,
    %add3A_490 = arith.constant 9.99999997E-7 : f32
    %add3A_491 = vector.broadcast %add3A_490 : f32 to vector<16xf32>
    %add3A_492 = arith.addf %get3A_489, %add3A_491 : vector<16xf32>
    %div3A_493 = arith.constant 1.000000e+00 : f32
    %div3A_494 = vector.broadcast %div3A_493 : f32 to vector<16xf32>
    %div3A_495 = arith.divf %div3A_494, %add3A_492 : vector<16xf32>
    %swap3A_496 = arith.constant 544 : index
    %swap3A_497 = tpu.vector_load %arg7[%swap3A_496] {strides = array<i32>} : memref<1152xf32, #tpu.memory_space<vmem>>, vector<16xf32>,
    tpu.vector_store %arg7[%swap3A_496], %div3A_495 {strides = array<i32>} : memref<1152xf32, #tpu.memory_space<vmem>>, vector<16xf32>,
    %get3A_498 = arith.constant 560 : index
    %get3A_499 = tpu.vector_load %arg6[%get3A_498] {strides = array<i32>} : memref<1152xf32, #tpu.memory_space<vmem>>, vector<16xf32>,
    %add3A_500 = arith.constant 9.99999997E-7 : f32
    %add3A_501 = vector.broadcast %add3A_500 : f32 to vector<16xf32>
    %add3A_502 = arith.addf %get3A_499, %add3A_501 : vector<16xf32>
    %div3A_503 = arith.constant 1.000000e+00 : f32
    %div3A_504 = vector.broadcast %div3A_503 : f32 to vector<16xf32>
    %div3A_505 = arith.divf %div3A_504, %add3A_502 : vector<16xf32>
    %swap3A_506 = arith.constant 560 : index
    %swap3A_507 = tpu.vector_load %arg7[%swap3A_506] {strides = array<i32>} : memref<1152xf32, #tpu.memory_space<vmem>>, vector<16xf32>,
    tpu.vector_store %arg7[%swap3A_506], %div3A_505 {strides = array<i32>} : memref<1152xf32, #tpu.memory_space<vmem>>, vector<16xf32>,
    %get3A_508 = arith.constant 576 : index
    %get3A_509 = tpu.vector_load %arg6[%get3A_508] {strides = array<i32>} : memref<1152xf32, #tpu.memory_space<vmem>>, vector<16xf32>,
    %add3A_510 = arith.constant 9.99999997E-7 : f32
    %add3A_511 = vector.broadcast %add3A_510 : f32 to vector<16xf32>
    %add3A_512 = arith.addf %get3A_509, %add3A_511 : vector<16xf32>
    %div3A_513 = arith.constant 1.000000e+00 : f32
    %div3A_514 = vector.broadcast %div3A_513 : f32 to vector<16xf32>
    %div3A_515 = arith.divf %div3A_514, %add3A_512 : vector<16xf32>
    %swap3A_516 = arith.constant 576 : index
    %swap3A_517 = tpu.vector_load %arg7[%swap3A_516] {strides = array<i32>} : memref<1152xf32, #tpu.memory_space<vmem>>, vector<16xf32>,
    tpu.vector_store %arg7[%swap3A_516], %div3A_515 {strides = array<i32>} : memref<1152xf32, #tpu.memory_space<vmem>>, vector<16xf32>,
    %get3A_518 = arith.constant 592 : index
    %get3A_519 = tpu.vector_load %arg6[%get3A_518] {strides = array<i32>} : memref<1152xf32, #tpu.memory_space<vmem>>, vector<16xf32>,
    %add3A_520 = arith.constant 9.99999997E-7 : f32
    %add3A_521 = vector.broadcast %add3A_520 : f32 to vector<16xf32>
    %add3A_522 = arith.addf %get3A_519, %add3A_521 : vector<16xf32>
    %div3A_523 = arith.constant 1.000000e+00 : f32
    %div3A_524 = vector.broadcast %div3A_523 : f32 to vector<16xf32>
    %div3A_525 = arith.divf %div3A_524, %add3A_522 : vector<16xf32>
    %swap3A_526 = arith.constant 592 : index
    %swap3A_527 = tpu.vector_load %arg7[%swap3A_526] {strides = array<i32>} : memref<1152xf32, #tpu.memory_space<vmem>>, vector<16xf32>,
    tpu.vector_store %arg7[%swap3A_526], %div3A_525 {strides = array<i32>} : memref<1152xf32, #tpu.memory_space<vmem>>, vector<16xf32>,
    %get3A_528 = arith.constant 608 : index
    %get3A_529 = tpu.vector_load %arg6[%get3A_528] {strides = array<i32>} : memref<1152xf32, #tpu.memory_space<vmem>>, vector<16xf32>,
    %add3A_530 = arith.constant 9.99999997E-7 : f32
    %add3A_531 = vector.broadcast %add3A_530 : f32 to vector<16xf32>
    %add3A_532 = arith.addf %get3A_529, %add3A_531 : vector<16xf32>
    %div3A_533 = arith.constant 1.000000e+00 : f32
    %div3A_534 = vector.broadcast %div3A_533 : f32 to vector<16xf32>
    %div3A_535 = arith.divf %div3A_534, %add3A_532 : vector<16xf32>
    %swap3A_536 = arith.constant 608 : index
    %swap3A_537 = tpu.vector_load %arg7[%swap3A_536] {strides = array<i32>} : memref<1152xf32, #tpu.memory_space<vmem>>, vector<16xf32>,
    tpu.vector_store %arg7[%swap3A_536], %div3A_535 {strides = array<i32>} : memref<1152xf32, #tpu.memory_space<vmem>>, vector<16xf32>,
    %get3A_538 = arith.constant 624 : index
    %get3A_539 = tpu.vector_load %arg6[%get3A_538] {strides = array<i32>} : memref<1152xf32, #tpu.memory_space<vmem>>, vector<16xf32>,
    %add3A_540 = arith.constant 9.99999997E-7 : f32
    %add3A_541 = vector.broadcast %add3A_540 : f32 to vector<16xf32>
    %add3A_542 = arith.addf %get3A_539, %add3A_541 : vector<16xf32>
    %div3A_543 = arith.constant 1.000000e+00 : f32
    %div3A_544 = vector.broadcast %div3A_543 : f32 to vector<16xf32>
    %div3A_545 = arith.divf %div3A_544, %add3A_542 : vector<16xf32>
    %swap3A_546 = arith.constant 624 : index
    %swap3A_547 = tpu.vector_load %arg7[%swap3A_546] {strides = array<i32>} : memref<1152xf32, #tpu.memory_space<vmem>>, vector<16xf32>,
    tpu.vector_store %arg7[%swap3A_546], %div3A_545 {strides = array<i32>} : memref<1152xf32, #tpu.memory_space<vmem>>, vector<16xf32>,
    %get3A_548 = arith.constant 640 : index
    %get3A_549 = tpu.vector_load %arg6[%get3A_548] {strides = array<i32>} : memref<1152xf32, #tpu.memory_space<vmem>>, vector<16xf32>,
    %add3A_550 = arith.constant 9.99999997E-7 : f32
    %add3A_551 = vector.broadcast %add3A_550 : f32 to vector<16xf32>
    %add3A_552 = arith.addf %get3A_549, %add3A_551 : vector<16xf32>
    %div3A_553 = arith.constant 1.000000e+00 : f32
    %div3A_554 = vector.broadcast %div3A_553 : f32 to vector<16xf32>
    %div3A_555 = arith.divf %div3A_554, %add3A_552 : vector<16xf32>
    %swap3A_556 = arith.constant 640 : index
    %swap3A_557 = tpu.vector_load %arg7[%swap3A_556] {strides = array<i32>} : memref<1152xf32, #tpu.memory_space<vmem>>, vector<16xf32>,
    tpu.vector_store %arg7[%swap3A_556], %div3A_555 {strides = array<i32>} : memref<1152xf32, #tpu.memory_space<vmem>>, vector<16xf32>,
    %get3A_558 = arith.constant 656 : index
    %get3A_559 = tpu.vector_load %arg6[%get3A_558] {strides = array<i32>} : memref<1152xf32, #tpu.memory_space<vmem>>, vector<16xf32>,
    %add3A_560 = arith.constant 9.99999997E-7 : f32
    %add3A_561 = vector.broadcast %add3A_560 : f32 to vector<16xf32>
    %add3A_562 = arith.addf %get3A_559, %add3A_561 : vector<16xf32>
    %div3A_563 = arith.constant 1.000000e+00 : f32
    %div3A_564 = vector.broadcast %div3A_563 : f32 to vector<16xf32>
    %div3A_565 = arith.divf %div3A_564, %add3A_562 : vector<16xf32>
    %swap3A_566 = arith.constant 656 : index
    %swap3A_567 = tpu.vector_load %arg7[%swap3A_566] {strides = array<i32>} : memref<1152xf32, #tpu.memory_space<vmem>>, vector<16xf32>,
    tpu.vector_store %arg7[%swap3A_566], %div3A_565 {strides = array<i32>} : memref<1152xf32, #tpu.memory_space<vmem>>, vector<16xf32>,
    %get3A_568 = arith.constant 672 : index
    %get3A_569 = tpu.vector_load %arg6[%get3A_568] {strides = array<i32>} : memref<1152xf32, #tpu.memory_space<vmem>>, vector<16xf32>,
    %add3A_570 = arith.constant 9.99999997E-7 : f32
    %add3A_571 = vector.broadcast %add3A_570 : f32 to vector<16xf32>
    %add3A_572 = arith.addf %get3A_569, %add3A_571 : vector<16xf32>
    %div3A_573 = arith.constant 1.000000e+00 : f32
    %div3A_574 = vector.broadcast %div3A_573 : f32 to vector<16xf32>
    %div3A_575 = arith.divf %div3A_574, %add3A_572 : vector<16xf32>
    %swap3A_576 = arith.constant 672 : index
    %swap3A_577 = tpu.vector_load %arg7[%swap3A_576] {strides = array<i32>} : memref<1152xf32, #tpu.memory_space<vmem>>, vector<16xf32>,
    tpu.vector_store %arg7[%swap3A_576], %div3A_575 {strides = array<i32>} : memref<1152xf32, #tpu.memory_space<vmem>>, vector<16xf32>,
    %get3A_578 = arith.constant 688 : index
    %get3A_579 = tpu.vector_load %arg6[%get3A_578] {strides = array<i32>} : memref<1152xf32, #tpu.memory_space<vmem>>, vector<16xf32>,
    %add3A_580 = arith.constant 9.99999997E-7 : f32
    %add3A_581 = vector.broadcast %add3A_580 : f32 to vector<16xf32>
    %add3A_582 = arith.addf %get3A_579, %add3A_581 : vector<16xf32>
    %div3A_583 = arith.constant 1.000000e+00 : f32
    %div3A_584 = vector.broadcast %div3A_583 : f32 to vector<16xf32>
    %div3A_585 = arith.divf %div3A_584, %add3A_582 : vector<16xf32>
    %swap3A_586 = arith.constant 688 : index
    %swap3A_587 = tpu.vector_load %arg7[%swap3A_586] {strides = array<i32>} : memref<1152xf32, #tpu.memory_space<vmem>>, vector<16xf32>,
    tpu.vector_store %arg7[%swap3A_586], %div3A_585 {strides = array<i32>} : memref<1152xf32, #tpu.memory_space<vmem>>, vector<16xf32>,
    %get3A_588 = arith.constant 704 : index
    %get3A_589 = tpu.vector_load %arg6[%get3A_588] {strides = array<i32>} : memref<1152xf32, #tpu.memory_space<vmem>>, vector<16xf32>,
    %add3A_590 = arith.constant 9.99999997E-7 : f32
    %add3A_591 = vector.broadcast %add3A_590 : f32 to vector<16xf32>
    %add3A_592 = arith.addf %get3A_589, %add3A_591 : vector<16xf32>
    %div3A_593 = arith.constant 1.000000e+00 : f32
    %div3A_594 = vector.broadcast %div3A_593 : f32 to vector<16xf32>
    %div3A_595 = arith.divf %div3A_594, %add3A_592 : vector<16xf32>
    %swap3A_596 = arith.constant 704 : index
    %swap3A_597 = tpu.vector_load %arg7[%swap3A_596] {strides = array<i32>} : memref<1152xf32, #tpu.memory_space<vmem>>, vector<16xf32>,
    tpu.vector_store %arg7[%swap3A_596], %div3A_595 {strides = array<i32>} : memref<1152xf32, #tpu.memory_space<vmem>>, vector<16xf32>,
    %get3A_598 = arith.constant 720 : index
    %get3A_599 = tpu.vector_load %arg6[%get3A_598] {strides = array<i32>} : memref<1152xf32, #tpu.memory_space<vmem>>, vector<16xf32>,
    %add3A_600 = arith.constant 9.99999997E-7 : f32
    %add3A_601 = vector.broadcast %add3A_600 : f32 to vector<16xf32>
    %add3A_602 = arith.addf %get3A_599, %add3A_601 : vector<16xf32>
    %div3A_603 = arith.constant 1.000000e+00 : f32
    %div3A_604 = vector.broadcast %div3A_603 : f32 to vector<16xf32>
    %div3A_605 = arith.divf %div3A_604, %add3A_602 : vector<16xf32>
    %swap3A_606 = arith.constant 720 : index
    %swap3A_607 = tpu.vector_load %arg7[%swap3A_606] {strides = array<i32>} : memref<1152xf32, #tpu.memory_space<vmem>>, vector<16xf32>,
    tpu.vector_store %arg7[%swap3A_606], %div3A_605 {strides = array<i32>} : memref<1152xf32, #tpu.memory_space<vmem>>, vector<16xf32>,
    %get3A_608 = arith.constant 736 : index
    %get3A_609 = tpu.vector_load %arg6[%get3A_608] {strides = array<i32>} : memref<1152xf32, #tpu.memory_space<vmem>>, vector<16xf32>,
    %add3A_610 = arith.constant 9.99999997E-7 : f32
    %add3A_611 = vector.broadcast %add3A_610 : f32 to vector<16xf32>
    %add3A_612 = arith.addf %get3A_609, %add3A_611 : vector<16xf32>
    %div3A_613 = arith.constant 1.000000e+00 : f32
    %div3A_614 = vector.broadcast %div3A_613 : f32 to vector<16xf32>
    %div3A_615 = arith.divf %div3A_614, %add3A_612 : vector<16xf32>
    %swap3A_616 = arith.constant 736 : index
    %swap3A_617 = tpu.vector_load %arg7[%swap3A_616] {strides = array<i32>} : memref<1152xf32, #tpu.memory_space<vmem>>, vector<16xf32>,
    tpu.vector_store %arg7[%swap3A_616], %div3A_615 {strides = array<i32>} : memref<1152xf32, #tpu.memory_space<vmem>>, vector<16xf32>,
    %get3A_618 = arith.constant 752 : index
    %get3A_619 = tpu.vector_load %arg6[%get3A_618] {strides = array<i32>} : memref<1152xf32, #tpu.memory_space<vmem>>, vector<16xf32>,
    %add3A_620 = arith.constant 9.99999997E-7 : f32
    %add3A_621 = vector.broadcast %add3A_620 : f32 to vector<16xf32>
    %add3A_622 = arith.addf %get3A_619, %add3A_621 : vector<16xf32>
    %div3A_623 = arith.constant 1.000000e+00 : f32
    %div3A_624 = vector.broadcast %div3A_623 : f32 to vector<16xf32>
    %div3A_625 = arith.divf %div3A_624, %add3A_622 : vector<16xf32>
    %swap3A_626 = arith.constant 752 : index
    %swap3A_627 = tpu.vector_load %arg7[%swap3A_626] {strides = array<i32>} : memref<1152xf32, #tpu.memory_space<vmem>>, vector<16xf32>,
    tpu.vector_store %arg7[%swap3A_626], %div3A_625 {strides = array<i32>} : memref<1152xf32, #tpu.memory_space<vmem>>, vector<16xf32>,
    %get3A_628 = arith.constant 768 : index
    %get3A_629 = tpu.vector_load %arg6[%get3A_628] {strides = array<i32>} : memref<1152xf32, #tpu.memory_space<vmem>>, vector<16xf32>,
    %add3A_630 = arith.constant 9.99999997E-7 : f32
    %add3A_631 = vector.broadcast %add3A_630 : f32 to vector<16xf32>
    %add3A_632 = arith.addf %get3A_629, %add3A_631 : vector<16xf32>
    %div3A_633 = arith.constant 1.000000e+00 : f32
    %div3A_634 = vector.broadcast %div3A_633 : f32 to vector<16xf32>
    %div3A_635 = arith.divf %div3A_634, %add3A_632 : vector<16xf32>
    %swap3A_636 = arith.constant 768 : index
    %swap3A_637 = tpu.vector_load %arg7[%swap3A_636] {strides = array<i32>} : memref<1152xf32, #tpu.memory_space<vmem>>, vector<16xf32>,
    tpu.vector_store %arg7[%swap3A_636], %div3A_635 {strides = array<i32>} : memref<1152xf32, #tpu.memory_space<vmem>>, vector<16xf32>,
    %get3A_638 = arith.constant 784 : index
    %get3A_639 = tpu.vector_load %arg6[%get3A_638] {strides = array<i32>} : memref<1152xf32, #tpu.memory_space<vmem>>, vector<16xf32>,
    %add3A_640 = arith.constant 9.99999997E-7 : f32
    %add3A_641 = vector.broadcast %add3A_640 : f32 to vector<16xf32>
    %add3A_642 = arith.addf %get3A_639, %add3A_641 : vector<16xf32>
    %div3A_643 = arith.constant 1.000000e+00 : f32
    %div3A_644 = vector.broadcast %div3A_643 : f32 to vector<16xf32>
    %div3A_645 = arith.divf %div3A_644, %add3A_642 : vector<16xf32>
    %swap3A_646 = arith.constant 784 : index
    %swap3A_647 = tpu.vector_load %arg7[%swap3A_646] {strides = array<i32>} : memref<1152xf32, #tpu.memory_space<vmem>>, vector<16xf32>,
    tpu.vector_store %arg7[%swap3A_646], %div3A_645 {strides = array<i32>} : memref<1152xf32, #tpu.memory_space<vmem>>, vector<16xf32>,
    %get3A_648 = arith.constant 800 : index
    %get3A_649 = tpu.vector_load %arg6[%get3A_648] {strides = array<i32>} : memref<1152xf32, #tpu.memory_space<vmem>>, vector<16xf32>,
    %add3A_650 = arith.constant 9.99999997E-7 : f32
    %add3A_651 = vector.broadcast %add3A_650 : f32 to vector<16xf32>
    %add3A_652 = arith.addf %get3A_649, %add3A_651 : vector<16xf32>
    %div3A_653 = arith.constant 1.000000e+00 : f32
    %div3A_654 = vector.broadcast %div3A_653 : f32 to vector<16xf32>
    %div3A_655 = arith.divf %div3A_654, %add3A_652 : vector<16xf32>
    %swap3A_656 = arith.constant 800 : index
    %swap3A_657 = tpu.vector_load %arg7[%swap3A_656] {strides = array<i32>} : memref<1152xf32, #tpu.memory_space<vmem>>, vector<16xf32>,
    tpu.vector_store %arg7[%swap3A_656], %div3A_655 {strides = array<i32>} : memref<1152xf32, #tpu.memory_space<vmem>>, vector<16xf32>,
    %get3A_658 = arith.constant 816 : index
    %get3A_659 = tpu.vector_load %arg6[%get3A_658] {strides = array<i32>} : memref<1152xf32, #tpu.memory_space<vmem>>, vector<16xf32>,
    %add3A_660 = arith.constant 9.99999997E-7 : f32
    %add3A_661 = vector.broadcast %add3A_660 : f32 to vector<16xf32>
    %add3A_662 = arith.addf %get3A_659, %add3A_661 : vector<16xf32>
    %div3A_663 = arith.constant 1.000000e+00 : f32
    %div3A_664 = vector.broadcast %div3A_663 : f32 to vector<16xf32>
    %div3A_665 = arith.divf %div3A_664, %add3A_662 : vector<16xf32>
    %swap3A_666 = arith.constant 816 : index
    %swap3A_667 = tpu.vector_load %arg7[%swap3A_666] {strides = array<i32>} : memref<1152xf32, #tpu.memory_space<vmem>>, vector<16xf32>,
    tpu.vector_store %arg7[%swap3A_666], %div3A_665 {strides = array<i32>} : memref<1152xf32, #tpu.memory_space<vmem>>, vector<16xf32>,
    %get3A_668 = arith.constant 832 : index
    %get3A_669 = tpu.vector_load %arg6[%get3A_668] {strides = array<i32>} : memref<1152xf32, #tpu.memory_space<vmem>>, vector<16xf32>,
    %add3A_670 = arith.constant 9.99999997E-7 : f32
    %add3A_671 = vector.broadcast %add3A_670 : f32 to vector<16xf32>
    %add3A_672 = arith.addf %get3A_669, %add3A_671 : vector<16xf32>
    %div3A_673 = arith.constant 1.000000e+00 : f32
    %div3A_674 = vector.broadcast %div3A_673 : f32 to vector<16xf32>
    %div3A_675 = arith.divf %div3A_674, %add3A_672 : vector<16xf32>
    %swap3A_676 = arith.constant 832 : index
    %swap3A_677 = tpu.vector_load %arg7[%swap3A_676] {strides = array<i32>} : memref<1152xf32, #tpu.memory_space<vmem>>, vector<16xf32>,
    tpu.vector_store %arg7[%swap3A_676], %div3A_675 {strides = array<i32>} : memref<1152xf32, #tpu.memory_space<vmem>>, vector<16xf32>,
    %get3A_678 = arith.constant 848 : index
    %get3A_679 = tpu.vector_load %arg6[%get3A_678] {strides = array<i32>} : memref<1152xf32, #tpu.memory_space<vmem>>, vector<16xf32>,
    %add3A_680 = arith.constant 9.99999997E-7 : f32
    %add3A_681 = vector.broadcast %add3A_680 : f32 to vector<16xf32>
    %add3A_682 = arith.addf %get3A_679, %add3A_681 : vector<16xf32>
    %div3A_683 = arith.constant 1.000000e+00 : f32
    %div3A_684 = vector.broadcast %div3A_683 : f32 to vector<16xf32>
    %div3A_685 = arith.divf %div3A_684, %add3A_682 : vector<16xf32>
    %swap3A_686 = arith.constant 848 : index
    %swap3A_687 = tpu.vector_load %arg7[%swap3A_686] {strides = array<i32>} : memref<1152xf32, #tpu.memory_space<vmem>>, vector<16xf32>,
    tpu.vector_store %arg7[%swap3A_686], %div3A_685 {strides = array<i32>} : memref<1152xf32, #tpu.memory_space<vmem>>, vector<16xf32>,
    %get3A_688 = arith.constant 864 : index
    %get3A_689 = tpu.vector_load %arg6[%get3A_688] {strides = array<i32>} : memref<1152xf32, #tpu.memory_space<vmem>>, vector<16xf32>,
    %add3A_690 = arith.constant 9.99999997E-7 : f32
    %add3A_691 = vector.broadcast %add3A_690 : f32 to vector<16xf32>
    %add3A_692 = arith.addf %get3A_689, %add3A_691 : vector<16xf32>
    %div3A_693 = arith.constant 1.000000e+00 : f32
    %div3A_694 = vector.broadcast %div3A_693 : f32 to vector<16xf32>
    %div3A_695 = arith.divf %div3A_694, %add3A_692 : vector<16xf32>
    %swap3A_696 = arith.constant 864 : index
    %swap3A_697 = tpu.vector_load %arg7[%swap3A_696] {strides = array<i32>} : memref<1152xf32, #tpu.memory_space<vmem>>, vector<16xf32>,
    tpu.vector_store %arg7[%swap3A_696], %div3A_695 {strides = array<i32>} : memref<1152xf32, #tpu.memory_space<vmem>>, vector<16xf32>,
    %get3A_698 = arith.constant 880 : index
    %get3A_699 = tpu.vector_load %arg6[%get3A_698] {strides = array<i32>} : memref<1152xf32, #tpu.memory_space<vmem>>, vector<16xf32>,
    %add3A_700 = arith.constant 9.99999997E-7 : f32
    %add3A_701 = vector.broadcast %add3A_700 : f32 to vector<16xf32>
    %add3A_702 = arith.addf %get3A_699, %add3A_701 : vector<16xf32>
    %div3A_703 = arith.constant 1.000000e+00 : f32
    %div3A_704 = vector.broadcast %div3A_703 : f32 to vector<16xf32>
    %div3A_705 = arith.divf %div3A_704, %add3A_702 : vector<16xf32>
    %swap3A_706 = arith.constant 880 : index
    %swap3A_707 = tpu.vector_load %arg7[%swap3A_706] {strides = array<i32>} : memref<1152xf32, #tpu.memory_space<vmem>>, vector<16xf32>,
    tpu.vector_store %arg7[%swap3A_706], %div3A_705 {strides = array<i32>} : memref<1152xf32, #tpu.memory_space<vmem>>, vector<16xf32>,
    %get3A_708 = arith.constant 896 : index
    %get3A_709 = tpu.vector_load %arg6[%get3A_708] {strides = array<i32>} : memref<1152xf32, #tpu.memory_space<vmem>>, vector<16xf32>,
    %add3A_710 = arith.constant 9.99999997E-7 : f32
    %add3A_711 = vector.broadcast %add3A_710 : f32 to vector<16xf32>
    %add3A_712 = arith.addf %get3A_709, %add3A_711 : vector<16xf32>
    %div3A_713 = arith.constant 1.000000e+00 : f32
    %div3A_714 = vector.broadcast %div3A_713 : f32 to vector<16xf32>
    %div3A_715 = arith.divf %div3A_714, %add3A_712 : vector<16xf32>
    %swap3A_716 = arith.constant 896 : index
    %swap3A_717 = tpu.vector_load %arg7[%swap3A_716] {strides = array<i32>} : memref<1152xf32, #tpu.memory_space<vmem>>, vector<16xf32>,
    tpu.vector_store %arg7[%swap3A_716], %div3A_715 {strides = array<i32>} : memref<1152xf32, #tpu.memory_space<vmem>>, vector<16xf32>,
    %get3A_718 = arith.constant 912 : index
    %get3A_719 = tpu.vector_load %arg6[%get3A_718] {strides = array<i32>} : memref<1152xf32, #tpu.memory_space<vmem>>, vector<16xf32>,
    %add3A_720 = arith.constant 9.99999997E-7 : f32
    %add3A_721 = vector.broadcast %add3A_720 : f32 to vector<16xf32>
    %add3A_722 = arith.addf %get3A_719, %add3A_721 : vector<16xf32>
    %div3A_723 = arith.constant 1.000000e+00 : f32
    %div3A_724 = vector.broadcast %div3A_723 : f32 to vector<16xf32>
    %div3A_725 = arith.divf %div3A_724, %add3A_722 : vector<16xf32>
    %swap3A_726 = arith.constant 912 : index
    %swap3A_727 = tpu.vector_load %arg7[%swap3A_726] {strides = array<i32>} : memref<1152xf32, #tpu.memory_space<vmem>>, vector<16xf32>,
    tpu.vector_store %arg7[%swap3A_726], %div3A_725 {strides = array<i32>} : memref<1152xf32, #tpu.memory_space<vmem>>, vector<16xf32>,
    %get3A_728 = arith.constant 928 : index
    %get3A_729 = tpu.vector_load %arg6[%get3A_728] {strides = array<i32>} : memref<1152xf32, #tpu.memory_space<vmem>>, vector<16xf32>,
    %add3A_730 = arith.constant 9.99999997E-7 : f32
    %add3A_731 = vector.broadcast %add3A_730 : f32 to vector<16xf32>
    %add3A_732 = arith.addf %get3A_729, %add3A_731 : vector<16xf32>
    %div3A_733 = arith.constant 1.000000e+00 : f32
    %div3A_734 = vector.broadcast %div3A_733 : f32 to vector<16xf32>
    %div3A_735 = arith.divf %div3A_734, %add3A_732 : vector<16xf32>
    %swap3A_736 = arith.constant 928 : index
    %swap3A_737 = tpu.vector_load %arg7[%swap3A_736] {strides = array<i32>} : memref<1152xf32, #tpu.memory_space<vmem>>, vector<16xf32>,
    tpu.vector_store %arg7[%swap3A_736], %div3A_735 {strides = array<i32>} : memref<1152xf32, #tpu.memory_space<vmem>>, vector<16xf32>,
    %get3A_738 = arith.constant 944 : index
    %get3A_739 = tpu.vector_load %arg6[%get3A_738] {strides = array<i32>} : memref<1152xf32, #tpu.memory_space<vmem>>, vector<16xf32>,
    %add3A_740 = arith.constant 9.99999997E-7 : f32
    %add3A_741 = vector.broadcast %add3A_740 : f32 to vector<16xf32>
    %add3A_742 = arith.addf %get3A_739, %add3A_741 : vector<16xf32>
    %div3A_743 = arith.constant 1.000000e+00 : f32
    %div3A_744 = vector.broadcast %div3A_743 : f32 to vector<16xf32>
    %div3A_745 = arith.divf %div3A_744, %add3A_742 : vector<16xf32>
    %swap3A_746 = arith.constant 944 : index
    %swap3A_747 = tpu.vector_load %arg7[%swap3A_746] {strides = array<i32>} : memref<1152xf32, #tpu.memory_space<vmem>>, vector<16xf32>,
    tpu.vector_store %arg7[%swap3A_746], %div3A_745 {strides = array<i32>} : memref<1152xf32, #tpu.memory_space<vmem>>, vector<16xf32>,
    %get3A_748 = arith.constant 960 : index
    %get3A_749 = tpu.vector_load %arg6[%get3A_748] {strides = array<i32>} : memref<1152xf32, #tpu.memory_space<vmem>>, vector<16xf32>,
    %add3A_750 = arith.constant 9.99999997E-7 : f32
    %add3A_751 = vector.broadcast %add3A_750 : f32 to vector<16xf32>
    %add3A_752 = arith.addf %get3A_749, %add3A_751 : vector<16xf32>
    %div3A_753 = arith.constant 1.000000e+00 : f32
    %div3A_754 = vector.broadcast %div3A_753 : f32 to vector<16xf32>
    %div3A_755 = arith.divf %div3A_754, %add3A_752 : vector<16xf32>
    %swap3A_756 = arith.constant 960 : index
    %swap3A_757 = tpu.vector_load %arg7[%swap3A_756] {strides = array<i32>} : memref<1152xf32, #tpu.memory_space<vmem>>, vector<16xf32>,
    tpu.vector_store %arg7[%swap3A_756], %div3A_755 {strides = array<i32>} : memref<1152xf32, #tpu.memory_space<vmem>>, vector<16xf32>,
    %get3A_758 = arith.constant 976 : index
    %get3A_759 = tpu.vector_load %arg6[%get3A_758] {strides = array<i32>} : memref<1152xf32, #tpu.memory_space<vmem>>, vector<16xf32>,
    %add3A_760 = arith.constant 9.99999997E-7 : f32
    %add3A_761 = vector.broadcast %add3A_760 : f32 to vector<16xf32>
    %add3A_762 = arith.addf %get3A_759, %add3A_761 : vector<16xf32>
    %div3A_763 = arith.constant 1.000000e+00 : f32
    %div3A_764 = vector.broadcast %div3A_763 : f32 to vector<16xf32>
    %div3A_765 = arith.divf %div3A_764, %add3A_762 : vector<16xf32>
    %swap3A_766 = arith.constant 976 : index
    %swap3A_767 = tpu.vector_load %arg7[%swap3A_766] {strides = array<i32>} : memref<1152xf32, #tpu.memory_space<vmem>>, vector<16xf32>,
    tpu.vector_store %arg7[%swap3A_766], %div3A_765 {strides = array<i32>} : memref<1152xf32, #tpu.memory_space<vmem>>, vector<16xf32>,
    %get3A_768 = arith.constant 992 : index
    %get3A_769 = tpu.vector_load %arg6[%get3A_768] {strides = array<i32>} : memref<1152xf32, #tpu.memory_space<vmem>>, vector<16xf32>,
    %add3A_770 = arith.constant 9.99999997E-7 : f32
    %add3A_771 = vector.broadcast %add3A_770 : f32 to vector<16xf32>
    %add3A_772 = arith.addf %get3A_769, %add3A_771 : vector<16xf32>
    %div3A_773 = arith.constant 1.000000e+00 : f32
    %div3A_774 = vector.broadcast %div3A_773 : f32 to vector<16xf32>
    %div3A_775 = arith.divf %div3A_774, %add3A_772 : vector<16xf32>
    %swap3A_776 = arith.constant 992 : index
    %swap3A_777 = tpu.vector_load %arg7[%swap3A_776] {strides = array<i32>} : memref<1152xf32, #tpu.memory_space<vmem>>, vector<16xf32>,
    tpu.vector_store %arg7[%swap3A_776], %div3A_775 {strides = array<i32>} : memref<1152xf32, #tpu.memory_space<vmem>>, vector<16xf32>,
    %get3A_778 = arith.constant 1008 : index
    %get3A_779 = tpu.vector_load %arg6[%get3A_778] {strides = array<i32>} : memref<1152xf32, #tpu.memory_space<vmem>>, vector<16xf32>,
    %add3A_780 = arith.constant 9.99999997E-7 : f32
    %add3A_781 = vector.broadcast %add3A_780 : f32 to vector<16xf32>
    %add3A_782 = arith.addf %get3A_779, %add3A_781 : vector<16xf32>
    %div3A_783 = arith.constant 1.000000e+00 : f32
    %div3A_784 = vector.broadcast %div3A_783 : f32 to vector<16xf32>
    %div3A_785 = arith.divf %div3A_784, %add3A_782 : vector<16xf32>
    %swap3A_786 = arith.constant 1008 : index
    %swap3A_787 = tpu.vector_load %arg7[%swap3A_786] {strides = array<i32>} : memref<1152xf32, #tpu.memory_space<vmem>>, vector<16xf32>,
    tpu.vector_store %arg7[%swap3A_786], %div3A_785 {strides = array<i32>} : memref<1152xf32, #tpu.memory_space<vmem>>, vector<16xf32>,
    %get3A_788 = arith.constant 1024 : index
    %get3A_789 = tpu.vector_load %arg6[%get3A_788] {strides = array<i32>} : memref<1152xf32, #tpu.memory_space<vmem>>, vector<16xf32>,
    %add3A_790 = arith.constant 9.99999997E-7 : f32
    %add3A_791 = vector.broadcast %add3A_790 : f32 to vector<16xf32>
    %add3A_792 = arith.addf %get3A_789, %add3A_791 : vector<16xf32>
    %div3A_793 = arith.constant 1.000000e+00 : f32
    %div3A_794 = vector.broadcast %div3A_793 : f32 to vector<16xf32>
    %div3A_795 = arith.divf %div3A_794, %add3A_792 : vector<16xf32>
    %swap3A_796 = arith.constant 1024 : index
    %swap3A_797 = tpu.vector_load %arg7[%swap3A_796] {strides = array<i32>} : memref<1152xf32, #tpu.memory_space<vmem>>, vector<16xf32>,
    tpu.vector_store %arg7[%swap3A_796], %div3A_795 {strides = array<i32>} : memref<1152xf32, #tpu.memory_space<vmem>>, vector<16xf32>,
    %get3A_798 = arith.constant 1040 : index
    %get3A_799 = tpu.vector_load %arg6[%get3A_798] {strides = array<i32>} : memref<1152xf32, #tpu.memory_space<vmem>>, vector<16xf32>,
    %add3A_800 = arith.constant 9.99999997E-7 : f32
    %add3A_801 = vector.broadcast %add3A_800 : f32 to vector<16xf32>
    %add3A_802 = arith.addf %get3A_799, %add3A_801 : vector<16xf32>
    %div3A_803 = arith.constant 1.000000e+00 : f32
    %div3A_804 = vector.broadcast %div3A_803 : f32 to vector<16xf32>
    %div3A_805 = arith.divf %div3A_804, %add3A_802 : vector<16xf32>
    %swap3A_806 = arith.constant 1040 : index
    %swap3A_807 = tpu.vector_load %arg7[%swap3A_806] {strides = array<i32>} : memref<1152xf32, #tpu.memory_space<vmem>>, vector<16xf32>,
    tpu.vector_store %arg7[%swap3A_806], %div3A_805 {strides = array<i32>} : memref<1152xf32, #tpu.memory_space<vmem>>, vector<16xf32>,
    %get3A_808 = arith.constant 1056 : index
    %get3A_809 = tpu.vector_load %arg6[%get3A_808] {strides = array<i32>} : memref<1152xf32, #tpu.memory_space<vmem>>, vector<16xf32>,
    %add3A_810 = arith.constant 9.99999997E-7 : f32
    %add3A_811 = vector.broadcast %add3A_810 : f32 to vector<16xf32>
    %add3A_812 = arith.addf %get3A_809, %add3A_811 : vector<16xf32>
    %div3A_813 = arith.constant 1.000000e+00 : f32
    %div3A_814 = vector.broadcast %div3A_813 : f32 to vector<16xf32>
    %div3A_815 = arith.divf %div3A_814, %add3A_812 : vector<16xf32>
    %swap3A_816 = arith.constant 1056 : index
    %swap3A_817 = tpu.vector_load %arg7[%swap3A_816] {strides = array<i32>} : memref<1152xf32, #tpu.memory_space<vmem>>, vector<16xf32>,
    tpu.vector_store %arg7[%swap3A_816], %div3A_815 {strides = array<i32>} : memref<1152xf32, #tpu.memory_space<vmem>>, vector<16xf32>,
    %get3A_818 = arith.constant 1072 : index
    %get3A_819 = tpu.vector_load %arg6[%get3A_818] {strides = array<i32>} : memref<1152xf32, #tpu.memory_space<vmem>>, vector<16xf32>,
    %add3A_820 = arith.constant 9.99999997E-7 : f32
    %add3A_821 = vector.broadcast %add3A_820 : f32 to vector<16xf32>
    %add3A_822 = arith.addf %get3A_819, %add3A_821 : vector<16xf32>
    %div3A_823 = arith.constant 1.000000e+00 : f32
    %div3A_824 = vector.broadcast %div3A_823 : f32 to vector<16xf32>
    %div3A_825 = arith.divf %div3A_824, %add3A_822 : vector<16xf32>
    %swap3A_826 = arith.constant 1072 : index
    %swap3A_827 = tpu.vector_load %arg7[%swap3A_826] {strides = array<i32>} : memref<1152xf32, #tpu.memory_space<vmem>>, vector<16xf32>,
    tpu.vector_store %arg7[%swap3A_826], %div3A_825 {strides = array<i32>} : memref<1152xf32, #tpu.memory_space<vmem>>, vector<16xf32>,
    %get3A_828 = arith.constant 1088 : index
    %get3A_829 = tpu.vector_load %arg6[%get3A_828] {strides = array<i32>} : memref<1152xf32, #tpu.memory_space<vmem>>, vector<16xf32>,
    %add3A_830 = arith.constant 9.99999997E-7 : f32
    %add3A_831 = vector.broadcast %add3A_830 : f32 to vector<16xf32>
    %add3A_832 = arith.addf %get3A_829, %add3A_831 : vector<16xf32>
    %div3A_833 = arith.constant 1.000000e+00 : f32
    %div3A_834 = vector.broadcast %div3A_833 : f32 to vector<16xf32>
    %div3A_835 = arith.divf %div3A_834, %add3A_832 : vector<16xf32>
    %swap3A_836 = arith.constant 1088 : index
    %swap3A_837 = tpu.vector_load %arg7[%swap3A_836] {strides = array<i32>} : memref<1152xf32, #tpu.memory_space<vmem>>, vector<16xf32>,
    tpu.vector_store %arg7[%swap3A_836], %div3A_835 {strides = array<i32>} : memref<1152xf32, #tpu.memory_space<vmem>>, vector<16xf32>,
    %get3A_838 = arith.constant 1104 : index
    %get3A_839 = tpu.vector_load %arg6[%get3A_838] {strides = array<i32>} : memref<1152xf32, #tpu.memory_space<vmem>>, vector<16xf32>,
    %add3A_840 = arith.constant 9.99999997E-7 : f32
    %add3A_841 = vector.broadcast %add3A_840 : f32 to vector<16xf32>
    %add3A_842 = arith.addf %get3A_839, %add3A_841 : vector<16xf32>
    %div3A_843 = arith.constant 1.000000e+00 : f32
    %div3A_844 = vector.broadcast %div3A_843 : f32 to vector<16xf32>
    %div3A_845 = arith.divf %div3A_844, %add3A_842 : vector<16xf32>
    %swap3A_846 = arith.constant 1104 : index
    %swap3A_847 = tpu.vector_load %arg7[%swap3A_846] {strides = array<i32>} : memref<1152xf32, #tpu.memory_space<vmem>>, vector<16xf32>,
    tpu.vector_store %arg7[%swap3A_846], %div3A_845 {strides = array<i32>} : memref<1152xf32, #tpu.memory_space<vmem>>, vector<16xf32>,
    %get3A_848 = arith.constant 1120 : index
    %get3A_849 = tpu.vector_load %arg6[%get3A_848] {strides = array<i32>} : memref<1152xf32, #tpu.memory_space<vmem>>, vector<16xf32>,
    %add3A_850 = arith.constant 9.99999997E-7 : f32
    %add3A_851 = vector.broadcast %add3A_850 : f32 to vector<16xf32>
    %add3A_852 = arith.addf %get3A_849, %add3A_851 : vector<16xf32>
    %div3A_853 = arith.constant 1.000000e+00 : f32
    %div3A_854 = vector.broadcast %div3A_853 : f32 to vector<16xf32>
    %div3A_855 = arith.divf %div3A_854, %add3A_852 : vector<16xf32>
    %swap3A_856 = arith.constant 1120 : index
    %swap3A_857 = tpu.vector_load %arg7[%swap3A_856] {strides = array<i32>} : memref<1152xf32, #tpu.memory_space<vmem>>, vector<16xf32>,
    tpu.vector_store %arg7[%swap3A_856], %div3A_855 {strides = array<i32>} : memref<1152xf32, #tpu.memory_space<vmem>>, vector<16xf32>,
    %get3A_858 = arith.constant 1136 : index
    %get3A_859 = tpu.vector_load %arg6[%get3A_858] {strides = array<i32>} : memref<1152xf32, #tpu.memory_space<vmem>>, vector<16xf32>,
    %add3A_860 = arith.constant 9.99999997E-7 : f32
    %add3A_861 = vector.broadcast %add3A_860 : f32 to vector<16xf32>
    %add3A_862 = arith.addf %get3A_859, %add3A_861 : vector<16xf32>
    %div3A_863 = arith.constant 1.000000e+00 : f32
    %div3A_864 = vector.broadcast %div3A_863 : f32 to vector<16xf32>
    %div3A_865 = arith.divf %div3A_864, %add3A_862 : vector<16xf32>
    %swap3A_866 = arith.constant 1136 : index
    %swap3A_867 = tpu.vector_load %arg7[%swap3A_866] {strides = array<i32>} : memref<1152xf32, #tpu.memory_space<vmem>>, vector<16xf32>,
    tpu.vector_store %arg7[%swap3A_866], %div3A_865 {strides = array<i32>} : memref<1152xf32, #tpu.memory_space<vmem>>, vector<16xf32>,
    %not3A_868 = arith.constant true
    %not3A_869 = arith.xori %eq3A_1, %not3A_868 : i1
    %convert_element_type3A_870 = arith.extui %not3A_869 : i1 to i32
    %cond3A_871 = arith.constant 0 : i32
    %cond3A_872 = arith.cmpi ne, %convert_element_type3A_870, %cond3A_871 : i32
    scf.if %cond3A_872 {
      %run_scoped3A = arith.constant 0 : i32
      "tpu.region"() ({
        %run_scoped3A_876 = tpu.sem_alloc : memref<!tpu.dma_semaphore, #tpu.memory_space<semaphore_mem>>
        %dma_start3A_877 = arith.constant 0 : i32
        %dma_start3A_878 = tpu.memref_slice %arg7[%dma_start3A_877] : memref<1152xf32, #tpu.memory_space<vmem>> -> memref<1152xf32, #tpu.memory_space<vmem>>
        %dma_start3A_879 = tpu.memref_slice %arg4[%run_scoped3A, %mul3A_3] : memref<1x36864xf32, #tpu.memory_space<hbm>> -> memref<1x1152xf32, #tpu.memory_space<hbm>>
        %dma_start3A_880 = tpu.memref_squeeze %dma_start3A_879 : memref<1x1152xf32, #tpu.memory_space<hbm>> -> memref<1152xf32, #tpu.memory_space<hbm>>
        %dma_start3A_881 = tpu.memref_slice %arg4[%run_scoped3A, %mul3A_3] : memref<1x36864xf32, #tpu.memory_space<hbm>> -> memref<1x1152xf32, #tpu.memory_space<hbm>>
        %dma_start3A_882 = tpu.memref_squeeze %dma_start3A_881 : memref<1x1152xf32, #tpu.memory_space<hbm>> -> memref<1152xf32, #tpu.memory_space<hbm>>
        %dma_start3A_883 = arith.constant 0 : i32
        %dma_start3A_884 = tpu.memref_slice %arg7[%dma_start3A_883] : memref<1152xf32, #tpu.memory_space<vmem>> -> memref<1152xf32, #tpu.memory_space<vmem>>
        tpu.enqueue_dma source(%dma_start3A_884 : memref<1152xf32, #tpu.memory_space<vmem>>) target(%dma_start3A_882 : memref<1152xf32, #tpu.memory_space<hbm>>) target_semaphore(%run_scoped3A_876 : memref<!tpu.dma_semaphore, #tpu.memory_space<semaphore_mem>>)
        %dma_wait3A_885 = arith.constant 0 : i32
        %dma_wait3A_886 = tpu.memref_slice %arg7[%dma_wait3A_885] : memref<1152xf32, #tpu.memory_space<vmem>> -> memref<1152xf32, #tpu.memory_space<vmem>>
        %dma_wait3A_887 = tpu.memref_slice %arg4[%run_scoped3A, %mul3A_3] : memref<1x36864xf32, #tpu.memory_space<hbm>> -> memref<1x1152xf32, #tpu.memory_space<hbm>>
        %dma_wait3A_888 = tpu.memref_squeeze %dma_wait3A_887 : memref<1x1152xf32, #tpu.memory_space<hbm>> -> memref<1152xf32, #tpu.memory_space<hbm>>
        %dma_wait3A_889 = tpu.memref_slice %arg4[%run_scoped3A, %mul3A_3] : memref<1x36864xf32, #tpu.memory_space<hbm>> -> memref<1x1152xf32, #tpu.memory_space<hbm>>
        %dma_wait3A_890 = tpu.memref_squeeze %dma_wait3A_889 : memref<1x1152xf32, #tpu.memory_space<hbm>> -> memref<1152xf32, #tpu.memory_space<hbm>>
        %dma_wait3A_891 = arith.constant 0 : i32
        %dma_wait3A_892 = tpu.memref_slice %arg7[%dma_wait3A_891] : memref<1152xf32, #tpu.memory_space<vmem>> -> memref<1152xf32, #tpu.memory_space<vmem>>
        tpu.wait_dma2 semaphore(%run_scoped3A_876 : memref<!tpu.dma_semaphore, #tpu.memory_space<semaphore_mem>>) src(%dma_wait3A_892 : memref<1152xf32, #tpu.memory_space<vmem>>) dst(%dma_wait3A_890 : memref<1152xf32, #tpu.memory_space<hbm>>)
        tpu.yield
      }) : () -> ()
    } else {
    }
    %convert_element_type3A_873 = arith.extui %eq3A_1 : i1 to i32
    %cond3A_874 = arith.constant 0 : i32
    %cond3A_875 = arith.cmpi ne, %convert_element_type3A_873, %cond3A_874 : i32
    scf.if %cond3A_875 {
      %run_scoped3A = arith.constant 0 : i32
      "tpu.region"() ({
        %run_scoped3A_876 = tpu.sem_alloc : memref<!tpu.dma_semaphore, #tpu.memory_space<semaphore_mem>>
        %dma_start3A_877 = arith.constant 0 : i32
        %dma_start3A_878 = tpu.memref_slice %arg7[%dma_start3A_877] : memref<1152xf32, #tpu.memory_space<vmem>> -> memref<896xf32, #tpu.memory_space<vmem>>
        %dma_start3A_879 = arith.constant 35712 : i32
        %dma_start3A_880 = tpu.memref_slice %arg4[%run_scoped3A, %dma_start3A_879] : memref<1x36864xf32, #tpu.memory_space<hbm>> -> memref<1x896xf32, #tpu.memory_space<hbm>>
        %dma_start3A_881 = tpu.memref_squeeze %dma_start3A_880 : memref<1x896xf32, #tpu.memory_space<hbm>> -> memref<896xf32, #tpu.memory_space<hbm>>
        %dma_start3A_882 = arith.constant 35712 : i32
        %dma_start3A_883 = tpu.memref_slice %arg4[%run_scoped3A, %dma_start3A_882] : memref<1x36864xf32, #tpu.memory_space<hbm>> -> memref<1x896xf32, #tpu.memory_space<hbm>>
        %dma_start3A_884 = tpu.memref_squeeze %dma_start3A_883 : memref<1x896xf32, #tpu.memory_space<hbm>> -> memref<896xf32, #tpu.memory_space<hbm>>
        %dma_start3A_885 = arith.constant 0 : i32
        %dma_start3A_886 = tpu.memref_slice %arg7[%dma_start3A_885] : memref<1152xf32, #tpu.memory_space<vmem>> -> memref<896xf32, #tpu.memory_space<vmem>>
        tpu.enqueue_dma source(%dma_start3A_886 : memref<896xf32, #tpu.memory_space<vmem>>) target(%dma_start3A_884 : memref<896xf32, #tpu.memory_space<hbm>>) target_semaphore(%run_scoped3A_876 : memref<!tpu.dma_semaphore, #tpu.memory_space<semaphore_mem>>)
        %dma_wait3A_887 = arith.constant 0 : i32
        %dma_wait3A_888 = tpu.memref_slice %arg7[%dma_wait3A_887] : memref<1152xf32, #tpu.memory_space<vmem>> -> memref<896xf32, #tpu.memory_space<vmem>>
        %dma_wait3A_889 = arith.constant 35712 : i32
        %dma_wait3A_890 = tpu.memref_slice %arg4[%run_scoped3A, %dma_wait3A_889] : memref<1x36864xf32, #tpu.memory_space<hbm>> -> memref<1x896xf32, #tpu.memory_space<hbm>>
        %dma_wait3A_891 = tpu.memref_squeeze %dma_wait3A_890 : memref<1x896xf32, #tpu.memory_space<hbm>> -> memref<896xf32, #tpu.memory_space<hbm>>
        %dma_wait3A_892 = arith.constant 35712 : i32
        %dma_wait3A_893 = tpu.memref_slice %arg4[%run_scoped3A, %dma_wait3A_892] : memref<1x36864xf32, #tpu.memory_space<hbm>> -> memref<1x896xf32, #tpu.memory_space<hbm>>
        %dma_wait3A_894 = tpu.memref_squeeze %dma_wait3A_893 : memref<1x896xf32, #tpu.memory_space<hbm>> -> memref<896xf32, #tpu.memory_space<hbm>>
        %dma_wait3A_895 = arith.constant 0 : i32
        %dma_wait3A_896 = tpu.memref_slice %arg7[%dma_wait3A_895] : memref<1152xf32, #tpu.memory_space<vmem>> -> memref<896xf32, #tpu.memory_space<vmem>>
        tpu.wait_dma2 semaphore(%run_scoped3A_876 : memref<!tpu.dma_semaphore, #tpu.memory_space<semaphore_mem>>) src(%dma_wait3A_896 : memref<896xf32, #tpu.memory_space<vmem>>) dst(%dma_wait3A_894 : memref<896xf32, #tpu.memory_space<hbm>>)
        tpu.yield
      }) : () -> ()
    } else {
    }
    return
  }
}

module attributes {stable_mosaic.version = 14 : i64} {
  func.func @body(%arg0: i32, %arg1: memref<112x36601xf32, #tpu.memory_space<vmem>>, %arg2: memref<1x36864xf32, #tpu.memory_space<vmem>>, %arg3: memref<112x36601xf32, #tpu.memory_space<vmem>>) attributes {dimension_semantics = [#tpu.dimension_semantics<arbitrary>], iteration_bounds = array<i64: 10>, scalar_prefetch = 0 : i64, scratch_operands = 0 : i64, tpu.core_type = #tpu.core_type<tc>, window_params = [{transform_indices = @transform_0, window_bounds = array<i64: 112, 36601>}, {pipeline_mode = #tpu.pipeline_mode<synchronous>, transform_indices = @transform_1, window_bounds = array<i64: 1, 36864>}, {transform_indices = @transform_2, window_bounds = array<i64: 112, 36601>}]} {
    %get3A = arith.constant 0 : index
    %get3A_0 = arith.constant 0 : index
    %get3A_1 = vector.load %arg1[%get3A, %get3A_0] : memref<112x36601xf32, #tpu.memory_space<vmem>>, vector<112x36601xf32>
    %get3A_2 = arith.constant 0 : index
    %get3A_3 = arith.constant 0 : index
    %get3A_4 = vector.load %arg2[%get3A_2, %get3A_3] : memref<1x36864xf32, #tpu.memory_space<vmem>>, vector<1x36864xf32>
    %slice3A = vector.extract_strided_slice %get3A_4 {offsets = [0, 0], sizes = [1, 36601], strides = [1, 1]} : vector<1x36864xf32> to vector<1x36601xf32>
    %mul3A = vector.broadcast %slice3A : vector<1x36601xf32> to vector<112x36601xf32>
    %mul3A_5 = arith.mulf %get3A_1, %mul3A : vector<112x36601xf32>
    %swap3A = arith.constant 0 : index
    %swap3A_6 = arith.constant 0 : index
    %swap3A_7 = vector.load %arg3[%swap3A, %swap3A_6] : memref<112x36601xf32, #tpu.memory_space<vmem>>, vector<112x36601xf32>
    tpu.vector_store %arg3[%swap3A, %swap3A_6], %mul3A_5 {strides = array<i32>} : memref<112x36601xf32, #tpu.memory_space<vmem>>, vector<112x36601xf32>,
    return
  }
  func.func @transform_0(%arg0: i32) -> (i32, i32) {
    %c0_i32 = arith.constant 0 : i32
    %c0_i32_0 = arith.constant 0 : i32
    return %arg0, %c0_i32 : i32, i32
  }
  func.func @transform_1(%arg0: i32) -> (i32, i32) {
    %c0_i32 = arith.constant 0 : i32
    %c0_i32_0 = arith.constant 0 : i32
    %c0_i32_1 = arith.constant 0 : i32
    return %c0_i32, %c0_i32_0 : i32, i32
  }
  func.func @transform_2(%arg0: i32) -> (i32, i32) {
    %c0_i32 = arith.constant 0 : i32
    %c0_i32_0 = arith.constant 0 : i32
    return %arg0, %c0_i32 : i32, i32
  }
}

</mosaic_0001>

<sc_bundles>
// kernel: kernel.4.cloned.1.call-start
scs
__scs_entry_jumppad:
0x0: {  	(pc) =	sbr.rel $0x88, $3  }
0x1: {  	(tag) =	ssettag $0x0;
	lr =	simm.s32 $0x1  }
0x2: {  	[smem:$0x3F9E] =	sst lr;
	_ =	strace $0xD0000000  }
0x3: {  	_ = 	snop  }
0x4: {  	_ = 	snop  }
0x5: {  	_ = 	snop  }
0x6: {  	_ = 	snop  }
0x7: {  	_ = 	snop  }
__scs_overlays_trampoline_lowered:
0x8: {  	[smem:$0x3FAD] =	sst s0  }
0x9: {  	[smem:$0x3FAE] =	sst s1  }
0xa: {  	[smem:$0x3FAF] =	sst s2  }
0xb: {  	[smem:$0x3FB0] =	sst s3  }
0xc: {  	[smem:$0x3FB1] =	sst s4  }
0xd: {  	[smem:$0x3FB2] =	sst s5  }
0xe: {  	[smem:$0x3FB3] =	sst s6  }
0xf: {  	[smem:$0x3FB4] =	sst s7  }
0x10: {  	[smem:$0x3FB5] =	sst s8  }
0x11: {  	[smem:$0x3FB6] =	sst s9;
	s0 =	simm.s32 @!p0 $0x0  }
0x12: {  	s1 =	sld [smem:$0x3F9C];
	s0 =	simm.s32 @p0 $0x1  }
0x13: {  	[smem:$0x3FB7] =	sst s0;
	s0 =	simm.s32 @!p1 $0x0  }
0x14: {  	s2 =	sld [smem:$0x3F9B];
	s0 =	simm.s32 @p1 $0x1  }
0x15: {  	[smem:$0x3FB8] =	sst s0;
	s0 =	simm.s32 @!p2 $0x0  }
0x16: {  	s3 =	sld [smem:$0x3FDB];
	s0 =	simm.s32 @p2 $0x1  }
0x17: {  	s4 =	simm.s32 $0x1BF5;
	[smem:$0x3FBA] =	sst s0  }
0x18: {  	s0 =	sld [smem:$0x3F9D];
	_ =	swait.ge [sflag:s4], $0x0  }
0x19: {  	s7 =	sld [smem:$0x3F9E]  }
0x1a: {  	s8 =	sadd.s32 $0xFFFFE003, lr  }
0x1b: {  	s9 =	sadd.s32 $0xFFFFFEF7, lr;
	s5 =	simm.s32 $0xFFFFFFFF;
	p2 =	slt.u32 s8, $0xFFFFF086  }
0x1c: {  	p1 =	slt.u32 s9, $0xF7A;
	s5 =	simm.s32 @!p2 $0x0  }
0x1d: {  	s5 =	simm.s32 @p1 $0x1;
	p0 =	seq.s32 s7, s2  }
0x1e: {  	s7 =	smul.u32 @!p0 $0xF7A, s2;
	p2 =	seq.s32 @!p0 s5, $0x0  }
0x1f: {  	s9 =	smul.u32 $0xF7A, s1;
	s8 =	simm.s32 @!p0 $0x1BF5;
	p2 =	por !p2, p0  }
0x20: {  	[sflag:s8] =	ssyncset.s32 @!p0 $0xFFFFF086;
	s6 =	sadd.s32 @!p0 s3, s7;
	s7 =	simm.s32 @!p0 $0x108  }
0x21: {  	s3 =	sadd.s32 s3, s9;
	s6 =	sadd.s32 @!p0 $0x88, s6;
	s7 =	simm.s32 @p2 $0x1082  }
0x22: {  	[simem:s7], [sflag:s8] =	dma.local @!p0 [hbm:s6], $0xF7A  }
0x23: {  	s9 =	sor.u32 $0xD0000000, s2;
	s6 =	simm.s32 $0x108;
	_ =	swait.ge @!p0 [sflag:s8], $0x0  }
0x24: {  	s3 =	sadd.s32 $0x88, s3;
	s6 =	simm.s32 @!p1 $0x1082;
	[sflag:s4] =	ssyncset.s32 $0xFFFFF086  }
0x25: {  	[simem:s6], [sflag:s4] =	dma.local [hbm:s3], $0xF7A  }
0x26: {  	[smem:$0x3F9E] =	sst s1;
	(tag) =	ssettag s2;
	_ =	strace s9  }
0x27: {  	s1 =	sld [smem:$0x3FAE]  }
0x28: {  	s2 =	sld [smem:$0x3FAF]  }
0x29: {  	s4 =	sld [smem:$0x3FB1]  }
0x2a: {  	p0 =	seq.s32 s5, $0x0;
	s5 =	sld [smem:$0x3FB2]  }
0x2b: {  	s6 =	sld [smem:$0x3FB3]  }
0x2c: {  	s7 =	sld [smem:$0x3FB4]  }
0x2d: {  	s3 =	simm.s32 $0x108;
	s8 =	sld [smem:$0x3FB5]  }
0x2e: {  	s3 =	simm.s32 @!p0 $0x1082;
	s9 =	sld [smem:$0x3FB6]  }
0x2f: {  	lr =	sadd.s32 s0, s3;
	s0 =	sld [smem:$0x3FAD]  }
0x30: {  	s3 =	sld [smem:$0x3FB0]  }
0x31: {  	[smem:$0x3FB9] =	sst s10  }
0x32: {  	s10 =	sld [smem:$0x3FB7];
	_ =	sdelay $0x3  }
0x33: {  	p0 =	seq.s32 s10, $0x1;
	s10 =	sld [smem:$0x3FB9];
	_ =	sdelay $0x3  }
0x34: {  	[smem:$0x3FB9] =	sst s10  }
0x35: {  	s10 =	sld [smem:$0x3FB8];
	_ =	sdelay $0x3  }
0x36: {  	p1 =	seq.s32 s10, $0x1;
	s10 =	sld [smem:$0x3FB9];
	_ =	sdelay $0x3  }
0x37: {  	[smem:$0x3FB9] =	sst s10  }
0x38: {  	s10 =	sld [smem:$0x3FBA]  }
0x39: {  	_ = 	snop;
	(pc) =	sbr.ind lr, $3  }
0x3a: {  	_ = 	snop  }
0x3b: {  	_ = 	snop  }
0x3c: {  	p2 =	seq.s32 s10, $0x1;
	s10 =	sld [smem:$0x3FB9]  }
0x3d: {  	_ =	shalt  }
0x3e: {  	_ =	shalt  }
0x3f: {  	_ =	shalt  }
0x40: {  	_ =	shalt  }
0x41: {  	_ =	shalt  }
0x42: {  	_ =	shalt  }
0x43: {  	_ =	shalt  }
0x44: {  	_ =	shalt  }
0x45: {  	_ =	shalt  }
0x46: {  	_ =	shalt  }
0x47: {  	_ =	shalt  }
0x48: {  	_ =	shalt  }
0x49: {  	_ =	shalt  }
0x4a: {  	_ =	shalt  }
0x4b: {  	_ =	shalt  }
0x4c: {  	_ =	shalt  }
0x4d: {  	_ =	shalt  }
0x4e: {  	_ =	shalt  }
0x4f: {  	_ =	shalt  }
0x50: {  	_ =	shalt  }
0x51: {  	_ =	shalt  }
0x52: {  	_ =	shalt  }
0x53: {  	_ =	shalt  }
0x54: {  	_ =	shalt  }
0x55: {  	_ =	shalt  }
0x56: {  	_ =	shalt  }
0x57: {  	_ =	shalt  }
0x58: {  	_ =	shalt  }
0x59: {  	_ =	shalt  }
0x5a: {  	_ =	shalt  }
0x5b: {  	_ =	shalt  }
0x5c: {  	_ =	shalt  }
0x5d: {  	_ =	shalt  }
0x5e: {  	_ =	shalt  }
0x5f: {  	_ =	shalt  }
0x60: {  	_ =	shalt  }
0x61: {  	_ =	shalt  }
0x62: {  	_ =	shalt  }
0x63: {  	_ =	shalt  }
0x64: {  	_ =	shalt  }
0x65: {  	_ =	shalt  }
0x66: {  	_ =	shalt  }
0x67: {  	_ =	shalt  }
0x68: {  	_ =	shalt  }
0x69: {  	_ =	shalt  }
0x6a: {  	_ =	shalt  }
0x6b: {  	_ =	shalt  }
0x6c: {  	_ =	shalt  }
0x6d: {  	_ =	shalt  }
0x6e: {  	_ =	shalt  }
0x6f: {  	_ =	shalt  }
0x70: {  	_ =	shalt  }
0x71: {  	_ =	shalt  }
0x72: {  	_ =	shalt  }
0x73: {  	_ =	shalt  }
0x74: {  	_ =	shalt  }
0x75: {  	_ =	shalt  }
0x76: {  	_ =	shalt  }
0x77: {  	_ =	shalt  }
0x78: {  	_ =	shalt  }
0x79: {  	_ =	shalt  }
0x7a: {  	_ =	shalt  }
0x7b: {  	_ =	shalt  }
0x7c: {  	_ =	shalt  }
0x7d: {  	_ =	shalt  }
0x7e: {  	_ =	shalt  }
0x7f: {  	_ =	shalt  }
0x80: {  	_ =	shalt  }
0x81: {  	_ =	shalt  }
0x82: {  	_ =	shalt  }
0x83: {  	_ =	shalt  }
0x84: {  	_ =	shalt  }
0x85: {  	_ =	shalt  }
0x86: {  	_ =	shalt  }
0x87: {  	_ =	shalt  }
.Lfunc_end0:
.L_simem_size_0:
called_computation_lowered:
.L_overlay_start_0:
0x88: {  	s2 =	sld [smem:$0x3FD9]  }
0x89: {  	s3 =	sld [smem:$0x3FFE];
	_ =	sdelay $0x1  }
0x8a: {  	s1 =	srdreg.scid  }
0x8b: {  	s0 =	sand.u32 $0x1, s1  }
0x8c: {  	s17 =	sshll.u32 s0, $0xA;
	s2 =	sadd.s32 s3, s2  }
0x8d: {  	s2 =	sadd.s32 s2, s17  }
0x8e: {  	[smem:$0x3FC5] =	sst s2  }
0x8f: {  	_ = 	snop  }
0x90: {  	s2 =	sld [smem:$0x3FC8]  }
0x91: {  	s18 =	sld [smem:$0x3FC7];
	(tm) =	ssettm $0x1  }
0x92: {  	s4 =	sld [smem:$0x3FFB];
	_ =	sdelay $0x3  }
0x93: {  	_ =	strace s4  }
0x94: {  	s4 =	sld [smem:$0x3FFC];
	_ =	sdelay $0x3  }
0x95: {  	_ =	strace s4  }
0x96: {  	s4 =	sld [smem:$0x3FFD];
	_ =	sdelay $0x3  }
0x97: {  	_ =	strace s4  }
0x98: {  	_ =	strace $0x8FFFFFFF  }
0x99: {  	s19 =	sld [smem:$0x3FDB];
	_ =	sdelay $0x1  }
0x9a: {  	s5 =	simm.s32 $_scs_section_size  }
0x9b: {  	s6 =	simm.s32 $_size__tile_overlayer_lowered;
	s7 =	simm.s32 $_tile_overlayer_lowered  }
0x9c: {  	s22 =	simm.s32 $0x1BFF;
	s21 =	sshll.u32 s7, $0x1;
	s4 =	sadd.s32 s5, s19  }
0x9d: {  	s8 =	simm.s32 $0x0;
	s20 =	sshll.u32 s6, $0x1;
	s6 =	sadd.s32 s21, s4  }
0x9e: {  	[timem:s8], [sflag:s22] =	dma.local [hbm:s6], s20  }
0x9f: {  	_ =	swait.ge [sflag:s22], s20  }
0xa0: {  	s5 =	ssub.s32 $0x0, s20;
	[sflag:s22] =	ssyncset.done $0x0  }
0xa1: {  	[sflag:s22] =	ssyncadd.s32 s5;
	_ =	sdelay $0x1  }
0xa2: {  	s23 =	simm.s32 $0x1B8B  }
0xa3: {  	_ =	swait.ge [sflag:s23], $0x1  }
0xa4: {  	[sflag:s23] =	ssyncset.done $0x0  }
0xa5: {  	s25 =	simm.s32 $0x1B8E;
	s24 =	sld [smem:$0x3FFE];
	[sflag:s23] =	ssyncadd.s32 $0xFFFFFFFF  }
0xa6: {  	s26 =	simm.s32 $execute0_lowered;
	[smem:$0x3FD2] =	sst s25  }
0xa7: {  	s6 =	sshll.u32 s26, $0x1;
	_ =	strace $0x80000046;
	[dreg:$0x1] =	wrdreg $0xFFFFFFFF  }
0xa8: {  	s28 =	simm.s32 $_size_execute0_lowered;
	s4 =	sadd.s32 s4, s6;
	[dreg:$0x0] =	wrdreg $0x0  }
0xa9: {  	s6 =	sshll.u32 s28, $0x1;
	[dreg:$0x2] =	wrdreg s4  }
0xaa: {  	[dreg:$0x3] =	wrdreg s6  }
0xab: {  	[dreg:$0x4] =	wrdreg $0xC0  }
0xac: {  	_ =	task [dreg:s8], $0x5FFFF  }
0xad: {  	[dreg:$0x1] =	wrdreg $0xFFFFFFFF  }
0xae: {  	[dreg:$0x0] =	wrdreg $0x60  }
0xaf: {  	[dreg:$0x2] =	wrdreg s2  }
0xb0: {  	[dreg:$0x3] =	wrdreg s18  }
0xb1: {  	[dreg:$0x4] =	wrdreg s24  }
0xb2: {  	[dreg:$0x5] =	wrdreg $0x9  }
0xb3: {  	_ =	task.clear_ibuf [dreg:s8], $0x6FFFF;
	_ =	strace $0x90000046  }
0xb4: {  	s29 =	simm.s32 $0x9;
	_ =	strace $0x80000048  }
0xb5: {  	_ =	swait.ge [sflag:s29], $0x1  }
0xb6: {  	[sflag:s29] =	ssyncadd.s32 $0xFFFFFFFF  }
0xb7: {  	_ =	strace $0x90000048  }
0xb8: {  	_ =	sfence  }
0xb9: {  	s30 =	sld [smem:$0x0];
	_ =	sdelay $0x2  }
0xba: {  	s31 =	sshll.u32 s1, $0xD;
	s1 =	sshrl.u32 s1, $0x2  }
0xbb: {  	s3 =	sand.u32 $0x4000, s31;
	s1 =	sadd.s32 s1, s30  }
0xbc: {  	s0 =	sor.u32 s3, s0;
	s1 =	sshll.u32 s1, $0x11  }
0xbd: {  	s0 =	sor.u32 s1, s0  }
0xbe: {  	s0 =	sadd.s32 $0x8F2B, s0  }
0xbf: {  	[sflag:s0] =	ssyncadd.remote.s32 $0x1  }
0xc0: {  	_ =	sfence.sel $0xFFFF  }
0xc1: {  	[dreg:$0x0] =	wrdreg $0xFFFFFFFF;
	(pc) =	sbr.abs _section_cstart, $3  }
0xc2: {  	[dreg:$0x1] =	wrdreg $0xFFFFFFFF  }
0xc3: {  	_ =	task.clear_ibuf [dreg:s8], $0x2FFFF;
	_ =	strace $0x9FFFFFFF  }
0xc4: {  	(tm) =	ssettm $0x7FFFFFFF  }
0xc5: {  	_ =	shalt  }
tec
execute0_lowered:
.L_overlay_start_1:
0x0: {  	(tag) =	ssettag $0x1  }
0x1: {  	s1 =	rddreg [dreg:$0x0];
	s0 =	srdreg.scid  }
0x2: {  	s3 =	stileid.u32;
	s2 =	rddreg [dreg:$0x1]  }
0x3: {  	s5 =	rddreg [dreg:$0x2];
	s28 =	simm.s32 $0x280;
	s29 =	simm.s32 $0x300  }
0x4: {  	s30 =	simm.s32 $0x1;
	s9 =	simm.s32 $0x380;
	s10 =	simm.s32 $0xB80  }
0x5: {  	s11 =	simm.s32 $0x400;
	s0 =	sand.u32 $0x1, s0;
	s3 =	sshll.u32 s3, $0x1  }
0x6: {  	s31 =	simm.s32 $0xC00;
	s12 =	simm.s32 $0x2;
	s6 =	sor.u32 s0, s3  }
0x7: {  	s26 =	sadd.s32 $0x1170, s2;
	s14 =	sadd.s32 $0x1180, s2;
	s4 =	smul.u32 $0x480, s6  }
0x8: {  	s15 =	sadd.s32 $0x1190, s2;
	s16 =	sadd.s32 $0x11A0, s2;
	s17 =	sadd.s32 $0x11B0, s2  }
0x9: {  	s3 =	simm.s32 $0x0;
	s0 =	ssub.s32 $0x2, s0;
	s4 =	sshrl.u32 s4, $0x3  }
0xa: {  	[smem:$0x7FF] =	sst s3;
	s7 =	sadd.s32 s4, s5;
	s4 =	sadd.s32 s2, s4  }
0xb: {  	_ =	strace $0x80000047;
	[dreg:$0xc] =	wrdreg s26;
	s18 =	sadd.s32 $0x10, s4  }
0xc: {  	s8 =	sshrl.u32 s0, $0x1;
	s19 =	sadd.s32 $0x20, s4;
	[dreg:$0x4] =	wrdreg s18  }
0xd: {  	p0 =	seq.s32 s6, $0x1F;
	s20 =	sadd.s32 $0x30, s4;
	[dreg:$0x5] =	wrdreg s19  }
0xe: {  	s6 =	simm.s32 $0xA00;
	s21 =	sadd.s32 $0x40, s4;
	[dreg:$0x6] =	wrdreg s20  }
0xf: {  	s0 =	ssub.s32 s0, s8;
	s22 =	sadd.s32 $0x50, s4;
	[dreg:$0x7] =	wrdreg s21  }
0x10: {  	s26 =	simm.s32 $0x200;
	s23 =	sadd.s32 $0x60, s4;
	[dreg:$0x8] =	wrdreg s22  }
0x11: {  	s8 =	simm.s32 $0xB00;
	s24 =	sadd.s32 $0x70, s4;
	[dreg:$0x9] =	wrdreg s23  }
.Ltmp0:
0x12: {  	s25 =	sadd.s32 $0x80, s4;
	[dreg:$0xa] =	wrdreg s24;
	(pc) =	sbr.rel .LBB2_1-.Ltmp0, $4  }
0x13: {  	[dreg:$0xb] =	wrdreg s25;
	s18 =	sadd.s32 $0x11C0, s2;
	s19 =	sadd.s32 $0x11D0, s2  }
0x14: {  	s20 =	sadd.s32 $0x400, s7;
	s21 =	sadd.s32 $0x1570, s5;
	s22 =	smax.u32 s0, $0x1  }
0x15: {  	s23 =	simm.s32 $0x80;
	s24 =	simm.s32 $0x100;
	s25 =	simm.s32 $0x180  }
0x16: {  	s0 =	simm.s32 $0x900;
	s5 =	simm.s32 $0x980;
	s7 =	simm.s32 $0xA80  }
.LBB2_3:
0x17: {  	s2 =	rddreg [dreg:$0xc]  }
0x18: {  	[tilespmem:s3], [sflag:$0x1] =	stream.linear.gather [hbm4b:s2+s3], $0x80, $0x38;
	[tilespmem:$0x1100] =	vst v63  }
0x19: {  	_ = 	snop  }
0x1a: {  	[tilespmem:s23], [sflag:$0x1] =	stream.linear.gather [hbm4b:s14+s3], $0x80, $0x38;
	[tilespmem:$0x1100] =	vst v63  }
0x1b: {  	_ = 	snop  }
0x1c: {  	[tilespmem:s24], [sflag:$0x1] =	stream.linear.gather [hbm4b:s15+s3], $0x80, $0x38;
	[tilespmem:$0x1100] =	vst v63  }
0x1d: {  	_ = 	snop  }
0x1e: {  	[tilespmem:s25], [sflag:$0x1] =	stream.linear.gather [hbm4b:s16+s3], $0x80, $0x38;
	[tilespmem:$0x1100] =	vst v63  }
0x1f: {  	_ = 	snop  }
0x20: {  	[tilespmem:s26], [sflag:$0x1] =	stream.linear.gather [hbm4b:s17+s3], $0x80, $0x38;
	[tilespmem:$0x1100] =	vst v63  }
0x21: {  	_ = 	snop  }
0x22: {  	[tilespmem:s28], [sflag:$0x1] =	stream.linear.gather [hbm4b:s18+s3], $0x80, $0x38;
	[tilespmem:$0x1100] =	vst v63  }
0x23: {  	_ = 	snop  }
0x24: {  	[tilespmem:s29], [sflag:$0x1] =	stream.linear.gather [hbm4b:s19+s3], $0x79, $0x38;
	[tilespmem:$0x1100] =	vst v63  }
0x25: {  	_ =	swait.ge [sflag:s30], $0x80  }
0x26: {  	[sflag:s30] =	ssyncset.done $0x0  }
0x27: {  	[sflag:s30] =	ssyncadd.s32 $0xFFFFFF80  }
0x28: {  	_ =	swait.ge [sflag:s30], $0x80  }
0x29: {  	[sflag:s30] =	ssyncset.done $0x0  }
0x2a: {  	[sflag:s30] =	ssyncadd.s32 $0xFFFFFF80  }
0x2b: {  	_ =	swait.ge [sflag:s30], $0x80  }
0x2c: {  	[sflag:s30] =	ssyncset.done $0x0  }
0x2d: {  	[sflag:s30] =	ssyncadd.s32 $0xFFFFFF80  }
0x2e: {  	_ =	swait.ge [sflag:s30], $0x80  }
0x2f: {  	[sflag:s30] =	ssyncset.done $0x0  }
0x30: {  	[sflag:s30] =	ssyncadd.s32 $0xFFFFFF80  }
0x31: {  	_ =	swait.ge [sflag:s30], $0x80  }
0x32: {  	[sflag:s30] =	ssyncset.done $0x0  }
0x33: {  	[sflag:s30] =	ssyncadd.s32 $0xFFFFFF80  }
0x34: {  	_ =	swait.ge [sflag:s30], $0x80  }
0x35: {  	[sflag:s30] =	ssyncset.done $0x0  }
0x36: {  	[sflag:s30] =	ssyncadd.s32 $0xFFFFFF80  }
0x37: {  	_ =	swait.ge [sflag:s30], $0x79  }
0x38: {  	[sflag:s30] =	ssyncset.done $0x0  }
0x39: {  	[sflag:s30] =	ssyncadd.s32 $0xFFFFFF87  }
0x3a: {  	v0 =	vld [tilespmem:$0x300]  }
0x3b: {  	v1 =	vld [tilespmem:$0x310]  }
0x3c: {  	v2 =	vld [tilespmem:$0x320]  }
0x3d: {  	v3 =	vld [tilespmem:$0x330]  }
0x3e: {  	v4 =	vld [tilespmem:$0x340]  }
0x3f: {  	v5 =	vld [tilespmem:$0x350];
	vm0 =	vgt.s32 v0, $0x0  }
0x40: {  	v6 =	vld [tilespmem:$0x360];
	vm5 =	vgt.s32 v1, $0x0;
	v0 =	vnsel vm0, $0x0, v0  }
0x41: {  	v7 =	vld [tilespmem:$0x370];
	vm6 =	vgt.s32 v2, $0x0;
	v1 =	vnsel vm5, $0x0, v1;
	v0 =	vmin.u32 v0, $0x8EF8  }
0x42: {  	v63 =	vld [tilespmem:$0x380];
	vm7 =	vgt.s32 v3, $0x0;
	v62 =	vnsel vm6, $0x0, v2;
	v61 =	vmin.u32 v1, $0x8EF8;
	[tilespmem:$0x300] =	vst v0  }
0x43: {  	v10 =	vld [tilespmem:$0x390];
	vm8 =	vgt.s32 v4, $0x0;
	v9 =	vnsel vm7, $0x0, v3;
	v8 =	vmin.u32 v62, $0x8EF8;
	[tilespmem:$0x310] =	vst v61  }
0x44: {  	v13 =	vld [tilespmem:$0x3A0];
	vm9 =	vgt.s32 v5, $0x0;
	v12 =	vnsel vm8, $0x0, v4;
	v11 =	vmin.u32 v9, $0x8EF8;
	[tilespmem:$0x320] =	vst v8  }
0x45: {  	v16 =	vld [tilespmem:$0x3B0];
	vm10 =	vgt.s32 v6, $0x0;
	v15 =	vnsel vm9, $0x0, v5;
	v14 =	vmin.u32 v12, $0x8EF8;
	[tilespmem:$0x330] =	vst v11  }
0x46: {  	v19 =	vld [tilespmem:$0x3C0];
	vm11 =	vgt.s32 v7, $0x0;
	v18 =	vnsel vm10, $0x0, v6;
	v17 =	vmin.u32 v15, $0x8EF8;
	[tilespmem:$0x340] =	vst v14  }
0x47: {  	v22 =	vld [tilespmem:$0x3D0];
	vm12 =	vgt.s32 v63, $0x0;
	v21 =	vnsel vm11, $0x0, v7;
	v20 =	vmin.u32 v18, $0x8EF8;
	[tilespmem:$0x350] =	vst v17  }
0x48: {  	v25 =	vld [tilespmem:$0x3E0];
	vm13 =	vgt.s32 v10, $0x0;
	v24 =	vnsel vm12, $0x0, v63;
	v23 =	vmin.u32 v21, $0x8EF8;
	[tilespmem:$0x360] =	vst v20  }
0x49: {  	v28 =	vld [tilespmem:$0x3F0];
	vm14 =	vgt.s32 v13, $0x0;
	v27 =	vnsel vm13, $0x0, v10;
	v26 =	vmin.u32 v24, $0x8EF8;
	[tilespmem:$0x370] =	vst v23  }
0x4a: {  	v31 =	vld [tilespmem:$0x400];
	vm15 =	vgt.s32 v16, $0x0;
	v30 =	vnsel vm14, $0x0, v13;
	v29 =	vmin.u32 v27, $0x8EF8;
	[tilespmem:$0x380] =	vst v26  }
0x4b: {  	v34 =	vld [tilespmem:$0x410];
	vm4 =	vgt.s32 v19, $0x0;
	v33 =	vnsel vm15, $0x0, v16;
	v32 =	vmin.u32 v30, $0x8EF8;
	[tilespmem:$0x390] =	vst v29  }
0x4c: {  	v37 =	vld [tilespmem:$0x420];
	v36 =	vnsel vm4, $0x0, v19;
	vm5 =	vgt.s32 v22, $0x0;
	v35 =	vmin.u32 v33, $0x8EF8;
	[tilespmem:$0x3A0] =	vst v32  }
0x4d: {  	v40 =	vld [tilespmem:$0x430];
	vm6 =	vgt.s32 v25, $0x0;
	v38 =	vmin.u32 v36, $0x8EF8;
	v39 =	vnsel vm5, $0x0, v22;
	[tilespmem:$0x3B0] =	vst v35  }
0x4e: {  	v43 =	vld [tilespmem:$0x440];
	vm7 =	vgt.s32 v28, $0x0;
	v42 =	vnsel vm6, $0x0, v25;
	[tilespmem:$0x3C0] =	vst v38;
	v41 =	vmin.u32 v39, $0x8EF8  }
0x4f: {  	v46 =	vld [tilespmem:$0x450];
	vm8 =	vgt.s32 v31, $0x0;
	v45 =	vnsel vm7, $0x0, v28;
	v44 =	vmin.u32 v42, $0x8EF8;
	[tilespmem:$0x3D0] =	vst v41  }
0x50: {  	v49 =	vld [tilespmem:$0x460];
	vm9 =	vgt.s32 v34, $0x0;
	v48 =	vnsel vm8, $0x0, v31;
	v47 =	vmin.u32 v45, $0x8EF8;
	[tilespmem:$0x3E0] =	vst v44  }
0x51: {  	v52 =	vld [tilespmem:$0x470];
	vm10 =	vgt.s32 v37, $0x0;
	v51 =	vnsel vm9, $0x0, v34;
	v50 =	vmin.u32 v48, $0x8EF8;
	[tilespmem:$0x3F0] =	vst v47  }
0x52: {  	vm11 =	vgt.s32 v40, $0x0;
	v54 =	vnsel vm10, $0x0, v37;
	v53 =	vmin.u32 v51, $0x8EF8;
	[tilespmem:$0x400] =	vst v50  }
0x53: {  	vm12 =	vgt.s32 v43, $0x0;
	v56 =	vnsel vm11, $0x0, v40;
	v55 =	vmin.u32 v54, $0x8EF8;
	[tilespmem:$0x410] =	vst v53  }
0x54: {  	vm13 =	vgt.s32 v46, $0x0;
	v58 =	vnsel vm12, $0x0, v43;
	v57 =	vmin.u32 v56, $0x8EF8;
	[tilespmem:$0x420] =	vst v55  }
0x55: {  	vm14 =	vgt.s32 v49, $0x0;
	v60 =	vnsel vm13, $0x0, v46;
	v59 =	vmin.u32 v58, $0x8EF8;
	[tilespmem:$0x430] =	vst v57  }
0x56: {  	vm15 =	vgt.s32 v52, $0x0;
	v62 =	vnsel vm14, $0x0, v49;
	v61 =	vmin.u32 v60, $0x8EF8;
	[tilespmem:$0x440] =	vst v59  }
0x57: {  	v63 =	vnsel vm15, $0x0, v52;
	v1 =	vmin.u32 v62, $0x8EF8;
	[tilespmem:$0x450] =	vst v61  }
0x58: {  	v0 =	vmin.u32 v63, $0x8EF8;
	[tilespmem:$0x460] =	vst v1  }
0x59: {  	[tilespmem:$0x470] =	vst v0  }
.LBB2_4:
0x5a: {  	s2 =	simm.s32 $0x800  }
0x5b: {  	[tilespmem:s2], [sflag:$0x2] =	stream.indirect.gather [hbm4b:s1+s23], $0x1, s3, s23, $0xb8;
	[tilespmem:$0x1100] =	vst v63  }
0x5c: {  	s13 =	simm.s32 $0x880  }
0x5d: {  	[tilespmem:s13], [sflag:$0x2] =	stream.indirect.gather [hbm4b:s1+s23], $0x1, s23, s23, $0xb8;
	[tilespmem:$0x1100] =	vst v63  }
0x5e: {  	_ = 	snop  }
0x5f: {  	[tilespmem:s0], [sflag:$0x2] =	stream.indirect.gather [hbm4b:s1+s23], $0x1, s24, s23, $0xb8;
	[tilespmem:$0x1100] =	vst v63  }
0x60: {  	_ = 	snop  }
0x61: {  	[tilespmem:s5], [sflag:$0x2] =	stream.indirect.gather [hbm4b:s1+s23], $0x1, s25, s23, $0xb8;
	[tilespmem:$0x1100] =	vst v63  }
0x62: {  	_ = 	snop  }
0x63: {  	[tilespmem:s6], [sflag:$0x2] =	stream.indirect.gather [hbm4b:s1+s23], $0x1, s26, s23, $0xb8;
	[tilespmem:$0x1100] =	vst v63  }
0x64: {  	_ = 	snop  }
0x65: {  	[tilespmem:s7], [sflag:$0x2] =	stream.indirect.gather [hbm4b:s1+s23], $0x1, s28, s23, $0xb8;
	[tilespmem:$0x1100] =	vst v63  }
0x66: {  	_ = 	snop  }
0x67: {  	[tilespmem:s8], [sflag:$0x2] =	stream.indirect.gather [hbm4b:s1+s23], $0x1, s29, s23, $0xb8;
	[tilespmem:$0x1100] =	vst v63  }
0x68: {  	_ = 	snop  }
0x69: {  	[tilespmem:s10], [sflag:$0x2] =	stream.indirect.gather [hbm4b:s1+s23], $0x1, s9, s23, $0xb8;
	[tilespmem:$0x1100] =	vst v63  }
0x6a: {  	_ = 	snop  }
0x6b: {  	[tilespmem:s31], [sflag:$0x2] =	stream.indirect.gather [hbm4b:s1+s23], $0x1, s11, s23, $0xb8;
	[tilespmem:$0x1100] =	vst v63  }
0x6c: {  	_ =	swait.ge [sflag:s12], $0x80  }
0x6d: {  	[sflag:s12] =	ssyncset.done $0x0  }
0x6e: {  	[sflag:s12] =	ssyncadd.s32 $0xFFFFFF80  }
0x6f: {  	_ =	swait.ge [sflag:s12], $0x80  }
0x70: {  	[sflag:s12] =	ssyncset.done $0x0  }
0x71: {  	[sflag:s12] =	ssyncadd.s32 $0xFFFFFF80  }
0x72: {  	_ =	swait.ge [sflag:s12], $0x80  }
0x73: {  	[sflag:s12] =	ssyncset.done $0x0  }
0x74: {  	[sflag:s12] =	ssyncadd.s32 $0xFFFFFF80  }
0x75: {  	_ =	swait.ge [sflag:s12], $0x80  }
0x76: {  	[sflag:s12] =	ssyncset.done $0x0  }
0x77: {  	[sflag:s12] =	ssyncadd.s32 $0xFFFFFF80  }
0x78: {  	_ =	swait.ge [sflag:s12], $0x80  }
0x79: {  	[sflag:s12] =	ssyncset.done $0x0  }
0x7a: {  	[sflag:s12] =	ssyncadd.s32 $0xFFFFFF80  }
0x7b: {  	_ =	swait.ge [sflag:s12], $0x80  }
0x7c: {  	[sflag:s12] =	ssyncset.done $0x0  }
0x7d: {  	[sflag:s12] =	ssyncadd.s32 $0xFFFFFF80  }
0x7e: {  	_ =	swait.ge [sflag:s12], $0x80  }
0x7f: {  	[sflag:s12] =	ssyncset.done $0x0  }
0x80: {  	[sflag:s12] =	ssyncadd.s32 $0xFFFFFF80  }
0x81: {  	_ =	swait.ge [sflag:s12], $0x80  }
0x82: {  	[sflag:s12] =	ssyncset.done $0x0  }
0x83: {  	[sflag:s12] =	ssyncadd.s32 $0xFFFFFF80  }
0x84: {  	_ =	swait.ge [sflag:s12], $0x80  }
0x85: {  	[sflag:s12] =	ssyncset.done $0x0  }
0x86: {  	[sflag:s12] =	ssyncadd.s32 $0xFFFFFF80  }
0x87: {  	v0 =	vld [tilespmem:$0x800]  }
0x88: {  	v1 =	vld [tilespmem:$0x810]  }
0x89: {  	v2 =	vld [tilespmem:$0x820]  }
0x8a: {  	v3 =	vld [tilespmem:$0x830]  }
0x8b: {  	v4 =	vld [tilespmem:$0x840]  }
0x8c: {  	v5 =	vld [tilespmem:$0x850];
	v0 =	vadd.f32 $9.999999970e-07, v0  }
0x8d: {  	v6 =	vld [tilespmem:$0x860];
	v1 =	vadd.f32 $9.999999970e-07, v1  }
0x8e: {  	v24 =	vld [tilespmem:$0x870];
	v23 =	vadd.f32 $9.999999970e-07, v2;
	(erf) = vrcp.f32 v0  }
0x8f: {  	v26 =	vld [tilespmem:$0x880];
	v25 =	vadd.f32 $9.999999970e-07, v3;
	(erf) = vrcp.f32 v1  }
0x90: {  	v28 =	vld [tilespmem:$0x890];
	v27 =	vadd.f32 $9.999999970e-07, v4;
	(erf) = vrcp.f32 v23  }
0x91: {  	v30 =	vld [tilespmem:$0x8A0];
	v29 =	vadd.f32 $9.999999970e-07, v5;
	(erf) = vrcp.f32 v25  }
0x92: {  	v32 =	vld [tilespmem:$0x8B0];
	v31 =	vadd.f32 $9.999999970e-07, v6;
	(erf) = vrcp.f32 v27  }
0x93: {  	v34 =	vld [tilespmem:$0x8C0];
	v33 =	vadd.f32 $9.999999970e-07, v24;
	(erf) = vrcp.f32 v29  }
0x94: {  	v36 =	vld [tilespmem:$0x8D0];
	v35 =	vadd.f32 $9.999999970e-07, v26;
	(erf) = vrcp.f32 v31  }
0x95: {  	v38 =	vld [tilespmem:$0x8E0];
	v37 =	vadd.f32 $9.999999970e-07, v28;
	(erf) = vrcp.f32 v33  }
0x96: {  	v40 =	vld [tilespmem:$0x8F0];
	v39 =	vadd.f32 $9.999999970e-07, v30;
	(erf) = vrcp.f32 v35  }
0x97: {  	v42 =	vld [tilespmem:$0x900];
	v41 =	vadd.f32 $9.999999970e-07, v32;
	v7 =	vpop (erf);
	(erf) = vrcp.f32 v37  }
0x98: {  	v45 =	vld [tilespmem:$0x910];
	v44 =	vadd.f32 $9.999999970e-07, v34;
	[tilespmem:$0xC80] =	vst v7;
	v43 =	vpop (erf);
	(erf) = vrcp.f32 v39  }
0x99: {  	v48 =	vld [tilespmem:$0x920];
	v47 =	vadd.f32 $9.999999970e-07, v36;
	[tilespmem:$0xC90] =	vst v43;
	v46 =	vpop (erf);
	(erf) = vrcp.f32 v41  }
0x9a: {  	v51 =	vld [tilespmem:$0x930];
	v50 =	vadd.f32 $9.999999970e-07, v38;
	[tilespmem:$0xCA0] =	vst v46;
	v49 =	vpop (erf);
	(erf) = vrcp.f32 v44  }
0x9b: {  	v54 =	vld [tilespmem:$0x940];
	v53 =	vadd.f32 $9.999999970e-07, v40;
	[tilespmem:$0xCB0] =	vst v49;
	v52 =	vpop (erf);
	(erf) = vrcp.f32 v47  }
0x9c: {  	v57 =	vld [tilespmem:$0x950];
	v56 =	vadd.f32 $9.999999970e-07, v42;
	[tilespmem:$0xCC0] =	vst v52;
	v55 =	vpop (erf);
	(erf) = vrcp.f32 v50  }
0x9d: {  	v60 =	vld [tilespmem:$0x960];
	v59 =	vadd.f32 $9.999999970e-07, v45;
	[tilespmem:$0xCD0] =	vst v55;
	v58 =	vpop (erf);
	(erf) = vrcp.f32 v53  }
0x9e: {  	v63 =	vld [tilespmem:$0x970];
	v62 =	vadd.f32 $9.999999970e-07, v48;
	[tilespmem:$0xCE0] =	vst v58;
	v61 =	vpop (erf);
	(erf) = vrcp.f32 v56  }
0x9f: {  	v11 =	vld [tilespmem:$0x980];
	v10 =	vadd.f32 $9.999999970e-07, v51;
	[tilespmem:$0xCF0] =	vst v61;
	v9 =	vpop (erf);
	(erf) = vrcp.f32 v59  }
0xa0: {  	v14 =	vld [tilespmem:$0x990];
	v13 =	vadd.f32 $9.999999970e-07, v54;
	[tilespmem:$0xD00] =	vst v9;
	v12 =	vpop (erf);
	(erf) = vrcp.f32 v62  }
0xa1: {  	v17 =	vld [tilespmem:$0x9A0];
	v16 =	vadd.f32 $9.999999970e-07, v57;
	[tilespmem:$0xD10] =	vst v12;
	v15 =	vpop (erf);
	(erf) = vrcp.f32 v10  }
0xa2: {  	v20 =	vld [tilespmem:$0x9B0];
	v19 =	vadd.f32 $9.999999970e-07, v60;
	[tilespmem:$0xD20] =	vst v15;
	v18 =	vpop (erf);
	(erf) = vrcp.f32 v13  }
0xa3: {  	v22 =	vadd.f32 $9.999999970e-07, v63;
	v23 =	vld [tilespmem:$0x9C0];
	[tilespmem:$0xD30] =	vst v18;
	v21 =	vpop (erf);
	(erf) = vrcp.f32 v16  }
0xa4: {  	v26 =	vld [tilespmem:$0x9D0];
	v25 =	vadd.f32 $9.999999970e-07, v11;
	[tilespmem:$0xD40] =	vst v21;
	v24 =	vpop (erf);
	(erf) = vrcp.f32 v19  }
0xa5: {  	v28 =	vadd.f32 $9.999999970e-07, v14;
	v29 =	vld [tilespmem:$0x9E0];
	[tilespmem:$0xD50] =	vst v24;
	v27 =	vpop (erf);
	(erf) = vrcp.f32 v22  }
0xa6: {  	v32 =	vld [tilespmem:$0x9F0];
	v31 =	vadd.f32 $9.999999970e-07, v17;
	[tilespmem:$0xD60] =	vst v27;
	v30 =	vpop (erf);
	(erf) = vrcp.f32 v25  }
0xa7: {  	v34 =	vadd.f32 $9.999999970e-07, v20;
	v35 =	vld [tilespmem:$0xA00];
	[tilespmem:$0xD70] =	vst v30;
	v33 =	vpop (erf);
	(erf) = vrcp.f32 v28  }
0xa8: {  	v38 =	vld [tilespmem:$0xA10];
	v37 =	vadd.f32 $9.999999970e-07, v23;
	[tilespmem:$0xD80] =	vst v33;
	v36 =	vpop (erf);
	(erf) = vrcp.f32 v31  }
0xa9: {  	v40 =	vadd.f32 $9.999999970e-07, v26;
	v41 =	vld [tilespmem:$0xA20];
	[tilespmem:$0xD90] =	vst v36;
	v39 =	vpop (erf);
	(erf) = vrcp.f32 v34  }
0xaa: {  	v43 =	vadd.f32 $9.999999970e-07, v29;
	v44 =	vld [tilespmem:$0xA30];
	[tilespmem:$0xDA0] =	vst v39;
	v42 =	vpop (erf);
	(erf) = vrcp.f32 v37  }
0xab: {  	v46 =	vadd.f32 $9.999999970e-07, v32;
	v47 =	vld [tilespmem:$0xA40];
	[tilespmem:$0xDB0] =	vst v42;
	v45 =	vpop (erf);
	(erf) = vrcp.f32 v40  }
0xac: {  	v49 =	vadd.f32 $9.999999970e-07, v35;
	v50 =	vld [tilespmem:$0xA50];
	[tilespmem:$0xDC0] =	vst v45;
	v48 =	vpop (erf);
	(erf) = vrcp.f32 v43  }
0xad: {  	v52 =	vadd.f32 $9.999999970e-07, v38;
	v53 =	vld [tilespmem:$0xA60];
	[tilespmem:$0xDD0] =	vst v48;
	v51 =	vpop (erf);
	(erf) = vrcp.f32 v46  }
0xae: {  	v55 =	vadd.f32 $9.999999970e-07, v41;
	v56 =	vld [tilespmem:$0xA70];
	[tilespmem:$0xDE0] =	vst v51;
	v54 =	vpop (erf);
	(erf) = vrcp.f32 v49  }
0xaf: {  	v58 =	vadd.f32 $9.999999970e-07, v44;
	v59 =	vld [tilespmem:$0xA80];
	[tilespmem:$0xDF0] =	vst v54;
	v57 =	vpop (erf);
	(erf) = vrcp.f32 v52  }
0xb0: {  	v61 =	vadd.f32 $9.999999970e-07, v47;
	v62 =	vld [tilespmem:$0xA90];
	[tilespmem:$0xE00] =	vst v57;
	v60 =	vpop (erf);
	(erf) = vrcp.f32 v55  }
0xb1: {  	v9 =	vadd.f32 $9.999999970e-07, v50;
	v10 =	vld [tilespmem:$0xAA0];
	[tilespmem:$0xE10] =	vst v60;
	v63 =	vpop (erf);
	(erf) = vrcp.f32 v58  }
0xb2: {  	v12 =	vadd.f32 $9.999999970e-07, v53;
	v13 =	vld [tilespmem:$0xAB0];
	[tilespmem:$0xE20] =	vst v63;
	v11 =	vpop (erf);
	(erf) = vrcp.f32 v61  }
0xb3: {  	v15 =	vadd.f32 $9.999999970e-07, v56;
	v16 =	vld [tilespmem:$0xAC0];
	[tilespmem:$0xE30] =	vst v11;
	v14 =	vpop (erf);
	(erf) = vrcp.f32 v9  }
0xb4: {  	v18 =	vadd.f32 $9.999999970e-07, v59;
	v19 =	vld [tilespmem:$0xAD0];
	[tilespmem:$0xE40] =	vst v14;
	v17 =	vpop (erf);
	(erf) = vrcp.f32 v12  }
0xb5: {  	v21 =	vadd.f32 $9.999999970e-07, v62;
	v22 =	vld [tilespmem:$0xAE0];
	[tilespmem:$0xE50] =	vst v17;
	v20 =	vpop (erf);
	(erf) = vrcp.f32 v15  }
0xb6: {  	v24 =	vadd.f32 $9.999999970e-07, v10;
	v25 =	vld [tilespmem:$0xAF0];
	[tilespmem:$0xE60] =	vst v20;
	v23 =	vpop (erf);
	(erf) = vrcp.f32 v18  }
0xb7: {  	v27 =	vadd.f32 $9.999999970e-07, v13;
	v28 =	vld [tilespmem:$0xB00];
	[tilespmem:$0xE70] =	vst v23;
	v26 =	vpop (erf);
	(erf) = vrcp.f32 v21  }
0xb8: {  	v30 =	vadd.f32 $9.999999970e-07, v16;
	v31 =	vld [tilespmem:$0xB10];
	[tilespmem:$0xE80] =	vst v26;
	v29 =	vpop (erf);
	(erf) = vrcp.f32 v24  }
0xb9: {  	v33 =	vadd.f32 $9.999999970e-07, v19;
	v34 =	vld [tilespmem:$0xB20];
	[tilespmem:$0xE90] =	vst v29;
	v32 =	vpop (erf);
	(erf) = vrcp.f32 v27  }
0xba: {  	v36 =	vadd.f32 $9.999999970e-07, v22;
	v37 =	vld [tilespmem:$0xB30];
	[tilespmem:$0xEA0] =	vst v32;
	v35 =	vpop (erf);
	(erf) = vrcp.f32 v30  }
0xbb: {  	v39 =	vadd.f32 $9.999999970e-07, v25;
	v40 =	vld [tilespmem:$0xB40];
	[tilespmem:$0xEB0] =	vst v35;
	v38 =	vpop (erf);
	(erf) = vrcp.f32 v33  }
0xbc: {  	v42 =	vadd.f32 $9.999999970e-07, v28;
	v43 =	vld [tilespmem:$0xB50];
	[tilespmem:$0xEC0] =	vst v38;
	v41 =	vpop (erf);
	(erf) = vrcp.f32 v36  }
0xbd: {  	v45 =	vadd.f32 $9.999999970e-07, v31;
	v46 =	vld [tilespmem:$0xB60];
	[tilespmem:$0xED0] =	vst v41;
	v44 =	vpop (erf);
	(erf) = vrcp.f32 v39  }
0xbe: {  	v48 =	vadd.f32 $9.999999970e-07, v34;
	v49 =	vld [tilespmem:$0xB70];
	[tilespmem:$0xEE0] =	vst v44;
	v47 =	vpop (erf);
	(erf) = vrcp.f32 v42  }
0xbf: {  	v51 =	vadd.f32 $9.999999970e-07, v37;
	v52 =	vld [tilespmem:$0xB80];
	[tilespmem:$0xEF0] =	vst v47;
	v50 =	vpop (erf);
	(erf) = vrcp.f32 v45  }
0xc0: {  	v54 =	vadd.f32 $9.999999970e-07, v40;
	v55 =	vld [tilespmem:$0xB90];
	[tilespmem:$0xF00] =	vst v50;
	v53 =	vpop (erf);
	(erf) = vrcp.f32 v48  }
0xc1: {  	v57 =	vadd.f32 $9.999999970e-07, v43;
	v58 =	vld [tilespmem:$0xBA0];
	[tilespmem:$0xF10] =	vst v53;
	v56 =	vpop (erf);
	(erf) = vrcp.f32 v51  }
0xc2: {  	v60 =	vadd.f32 $9.999999970e-07, v46;
	v61 =	vld [tilespmem:$0xBB0];
	[tilespmem:$0xF20] =	vst v56;
	v59 =	vpop (erf);
	(erf) = vrcp.f32 v54  }
0xc3: {  	v63 =	vadd.f32 $9.999999970e-07, v49;
	v9 =	vld [tilespmem:$0xBC0];
	[tilespmem:$0xF30] =	vst v59;
	v62 =	vpop (erf);
	(erf) = vrcp.f32 v57  }
0xc4: {  	v11 =	vadd.f32 $9.999999970e-07, v52;
	v12 =	vld [tilespmem:$0xBD0];
	[tilespmem:$0xF40] =	vst v62;
	v10 =	vpop (erf);
	(erf) = vrcp.f32 v60  }
0xc5: {  	v14 =	vadd.f32 $9.999999970e-07, v55;
	v15 =	vld [tilespmem:$0xBE0];
	[tilespmem:$0xF50] =	vst v10;
	v13 =	vpop (erf);
	(erf) = vrcp.f32 v63  }
0xc6: {  	v17 =	vadd.f32 $9.999999970e-07, v58;
	v18 =	vld [tilespmem:$0xBF0];
	[tilespmem:$0xF60] =	vst v13;
	v16 =	vpop (erf);
	(erf) = vrcp.f32 v11  }
0xc7: {  	v20 =	vadd.f32 $9.999999970e-07, v61;
	v21 =	vld [tilespmem:$0xC00];
	[tilespmem:$0xF70] =	vst v16;
	v19 =	vpop (erf);
	(erf) = vrcp.f32 v14  }
0xc8: {  	v23 =	vadd.f32 $9.999999970e-07, v9;
	v24 =	vld [tilespmem:$0xC10];
	[tilespmem:$0xF80] =	vst v19;
	v22 =	vpop (erf);
	(erf) = vrcp.f32 v17  }
0xc9: {  	v26 =	vadd.f32 $9.999999970e-07, v12;
	v27 =	vld [tilespmem:$0xC20];
	[tilespmem:$0xF90] =	vst v22;
	v25 =	vpop (erf);
	(erf) = vrcp.f32 v20  }
0xca: {  	v29 =	vadd.f32 $9.999999970e-07, v15;
	v30 =	vld [tilespmem:$0xC30];
	[tilespmem:$0xFA0] =	vst v25;
	v28 =	vpop (erf);
	(erf) = vrcp.f32 v23  }
0xcb: {  	v32 =	vadd.f32 $9.999999970e-07, v18;
	v33 =	vld [tilespmem:$0xC40];
	[tilespmem:$0xFB0] =	vst v28;
	v31 =	vpop (erf);
	(erf) = vrcp.f32 v26  }
0xcc: {  	v35 =	vadd.f32 $9.999999970e-07, v21;
	v36 =	vld [tilespmem:$0xC50];
	[tilespmem:$0xFC0] =	vst v31;
	v34 =	vpop (erf);
	(erf) = vrcp.f32 v29  }
0xcd: {  	v38 =	vadd.f32 $9.999999970e-07, v24;
	v39 =	vld [tilespmem:$0xC60];
	[tilespmem:$0xFD0] =	vst v34;
	v37 =	vpop (erf);
	(erf) = vrcp.f32 v32  }
0xce: {  	v41 =	vadd.f32 $9.999999970e-07, v27;
	v42 =	vld [tilespmem:$0xC70];
	[tilespmem:$0xFE0] =	vst v37;
	v40 =	vpop (erf);
	(erf) = vrcp.f32 v35  }
0xcf: {  	v44 =	vadd.f32 $9.999999970e-07, v30;
	[tilespmem:$0xFF0] =	vst v40;
	v43 =	vpop (erf);
	(erf) = vrcp.f32 v38  }
0xd0: {  	v46 =	vadd.f32 $9.999999970e-07, v33;
	[tilespmem:$0x1000] =	vst v43;
	v45 =	vpop (erf);
	(erf) = vrcp.f32 v41  }
0xd1: {  	v48 =	vadd.f32 $9.999999970e-07, v36;
	[tilespmem:$0x1010] =	vst v45;
	v47 =	vpop (erf);
	(erf) = vrcp.f32 v44  }
0xd2: {  	v50 =	vadd.f32 $9.999999970e-07, v39;
	[tilespmem:$0x1020] =	vst v47;
	v49 =	vpop (erf);
	(erf) = vrcp.f32 v46  }
0xd3: {  	v52 =	vadd.f32 $9.999999970e-07, v42;
	[tilespmem:$0x1030] =	vst v49;
	v51 =	vpop (erf);
	(erf) = vrcp.f32 v48  }
0xd4: {  	[tilespmem:$0x1040] =	vst v51;
	v53 =	vpop (erf);
	(erf) = vrcp.f32 v50  }
0xd5: {  	[tilespmem:$0x1050] =	vst v53;
	v54 =	vpop (erf);
	(erf) = vrcp.f32 v52  }
0xd6: {  	v55 =	vpop (erf);
	[tilespmem:$0x1060] =	vst v54  }
0xd7: {  	v56 =	vpop (erf);
	[tilespmem:$0x1070] =	vst v55  }
0xd8: {  	v57 =	vpop (erf);
	[tilespmem:$0x1080] =	vst v56  }
0xd9: {  	v58 =	vpop (erf);
	[tilespmem:$0x1090] =	vst v57  }
0xda: {  	v59 =	vpop (erf);
	[tilespmem:$0x10A0] =	vst v58  }
0xdb: {  	v60 =	vpop (erf);
	[tilespmem:$0x10B0] =	vst v59  }
0xdc: {  	v61 =	vpop (erf);
	[tilespmem:$0x10C0] =	vst v60  }
0xdd: {  	v62 =	vpop (erf);
	[tilespmem:$0x10D0] =	vst v61  }
0xde: {  	[tilespmem:$0x10E0] =	vst v62;
	v63 =	vpop (erf)  }
0xdf: {  	s2 =	simm.s32 @p0 $0x0;
	s13 =	simm.s32 @p0 $0xC80;
	[tilespmem:$0x10F0] =	vst v63  }
0xe0: {  	[hbm4b:s21+s2] =	stream.linear.scatter @p0 [tilespmem:s13], [sflag:$0x3], $0x380, $0x38;
	[tilespmem:$0x1100] =	vst v63  }
0xe1: {  	s2 =	simm.s32 @p0 $0x3  }
0xe2: {  	s22 =	sadd.s32 $0xFFFFFFFF, s22;
	_ =	swait.ge @p0 [sflag:s2], $0x380  }
0xe3: {  	p1 =	sne.s32 s22, $0x0;
	[sflag:s2] =	ssyncset.done @p0 $0x0  }
0xe4: {  	s13 =	simm.s32 @!p0 $0xC80;
	[sflag:s2] =	ssyncadd.s32 @p0 $0xFFFFFC80;
	s2 =	simm.s32 @!p0 $0x0  }
0xe5: {  	[hbm4b:s20+s2] =	stream.linear.scatter @!p0 [tilespmem:s13], [sflag:$0x3], $0x480, $0x38;
	[tilespmem:$0x1100] =	vst v63  }
.Ltmp1:
0xe6: {  	_ = 	snop;
	(pc) =	sbr.rel @!p1 .LBB2_5-.Ltmp1, $4  }
0xe7: {  	s2 =	simm.s32 @!p0 $0x3  }
0xe8: {  	_ =	swait.ge @!p0 [sflag:s2], $0x480  }
0xe9: {  	[sflag:s2] =	ssyncset.done @!p0 $0x0  }
0xea: {  	[sflag:s2] =	ssyncadd.s32 @!p0 $0xFFFFFB80  }
.LBB2_1:
.Ltmp2:
0xeb: {  	(pc) =	sbr.rel @p0 .LBB2_3-.Ltmp2, $1  }
0xec: {  	_ =	sdelay $0x3  }
0xed: {  	[tilespmem:s3], [sflag:$0x1] =	stream.linear.gather [hbm4b:s4+s3], $0x80, $0x38;
	[tilespmem:$0x1100] =	vst v63  }
0xee: {  	s2 =	rddreg [dreg:$0x4]  }
0xef: {  	[tilespmem:s23], [sflag:$0x1] =	stream.linear.gather [hbm4b:s2+s3], $0x80, $0x38;
	[tilespmem:$0x1100] =	vst v63  }
0xf0: {  	s13 =	rddreg [dreg:$0x5]  }
0xf1: {  	[tilespmem:s24], [sflag:$0x1] =	stream.linear.gather [hbm4b:s13+s3], $0x80, $0x38;
	[tilespmem:$0x1100] =	vst v63  }
0xf2: {  	s13 =	rddreg [dreg:$0x6]  }
0xf3: {  	[tilespmem:s25], [sflag:$0x1] =	stream.linear.gather [hbm4b:s13+s3], $0x80, $0x38;
	[tilespmem:$0x1100] =	vst v63  }
0xf4: {  	s13 =	rddreg [dreg:$0x7]  }
0xf5: {  	[tilespmem:s26], [sflag:$0x1] =	stream.linear.gather [hbm4b:s13+s3], $0x80, $0x38;
	[tilespmem:$0x1100] =	vst v63  }
0xf6: {  	s13 =	rddreg [dreg:$0x8]  }
0xf7: {  	[tilespmem:s28], [sflag:$0x1] =	stream.linear.gather [hbm4b:s13+s3], $0x80, $0x38;
	[tilespmem:$0x1100] =	vst v63  }
0xf8: {  	s13 =	rddreg [dreg:$0x9]  }
0xf9: {  	[tilespmem:s29], [sflag:$0x1] =	stream.linear.gather [hbm4b:s13+s3], $0x80, $0x38;
	[tilespmem:$0x1100] =	vst v63  }
0xfa: {  	s13 =	rddreg [dreg:$0xa]  }
0xfb: {  	[tilespmem:s9], [sflag:$0x1] =	stream.linear.gather [hbm4b:s13+s3], $0x80, $0x38;
	[tilespmem:$0x1100] =	vst v63  }
0xfc: {  	s13 =	rddreg [dreg:$0xb]  }
0xfd: {  	[tilespmem:s11], [sflag:$0x1] =	stream.linear.gather [hbm4b:s13+s3], $0x80, $0x38;
	[tilespmem:$0x1100] =	vst v63  }
0xfe: {  	_ =	swait.ge [sflag:s30], $0x80  }
0xff: {  	[sflag:s30] =	ssyncset.done $0x0  }
0x100: {  	[sflag:s30] =	ssyncadd.s32 $0xFFFFFF80  }
0x101: {  	_ =	swait.ge [sflag:s30], $0x80  }
0x102: {  	[sflag:s30] =	ssyncset.done $0x0  }
0x103: {  	[sflag:s30] =	ssyncadd.s32 $0xFFFFFF80  }
0x104: {  	_ =	swait.ge [sflag:s30], $0x80  }
0x105: {  	[sflag:s30] =	ssyncset.done $0x0  }
0x106: {  	[sflag:s30] =	ssyncadd.s32 $0xFFFFFF80  }
0x107: {  	_ =	swait.ge [sflag:s30], $0x80  }
0x108: {  	[sflag:s30] =	ssyncset.done $0x0  }
0x109: {  	[sflag:s30] =	ssyncadd.s32 $0xFFFFFF80  }
0x10a: {  	_ =	swait.ge [sflag:s30], $0x80  }
0x10b: {  	[sflag:s30] =	ssyncset.done $0x0  }
0x10c: {  	[sflag:s30] =	ssyncadd.s32 $0xFFFFFF80  }
0x10d: {  	_ =	swait.ge [sflag:s30], $0x80  }
0x10e: {  	[sflag:s30] =	ssyncset.done $0x0  }
0x10f: {  	[sflag:s30] =	ssyncadd.s32 $0xFFFFFF80  }
0x110: {  	_ =	swait.ge [sflag:s30], $0x80  }
0x111: {  	[sflag:s30] =	ssyncset.done $0x0  }
0x112: {  	[sflag:s30] =	ssyncadd.s32 $0xFFFFFF80  }
0x113: {  	_ =	swait.ge [sflag:s30], $0x80  }
.Ltmp3:
0x114: {  	[sflag:s30] =	ssyncset.done $0x0;
	(pc) =	sbr.rel .LBB2_4-.Ltmp3, $4  }
0x115: {  	[sflag:s30] =	ssyncadd.s32 $0xFFFFFF80  }
0x116: {  	_ =	swait.ge [sflag:s30], $0x80  }
0x117: {  	[sflag:s30] =	ssyncset.done $0x0  }
0x118: {  	[sflag:s30] =	ssyncadd.s32 $0xFFFFFF80  }
.LBB2_5:
0x119: {  	_ =	sfence.sel $0x180000  }
0x11a: {  	[bflag:$0x0] =	sbarrier.arrive $0xFFFF  }
0x11b: {  	_ =	strace $0x90000047  }
0x11c: {  	s0 =	stileid.u32;
	[bflag:$0x2] =	sbarrier.arrive $0xFFFF  }
0x11d: {  	p0 =	sne.s32 s0, $0x0;
	s0 =	rddreg [dreg:$0x3]  }
0x11e: {  	s0 =	sadd.s32 @!p0 $0x100000, s0  }
0x11f: {  	[sflag:s0] =	ssyncadd.tile.s32 @!p0 $0x1;
	_ =	shalt  }
.Lfunc_end2:
_tile_overlayer_lowered:
.L_overlay_start_2:
0x120: {  	(tag) =	ssettag $0x2  }
0x121: {  	s0 =	rddreg [dreg:$0x0];
	s2 =	stileid.u32  }
0x122: {  	s1 =	rddreg [dreg:$0x1];
	p0 =	sne.s32 s2, $0x0  }
0x123: {  	s3 =	rddreg [dreg:$0x2];
	[bflag:$0x3] =	sbarrier.arrive $0xFFFF;
	s2 =	simm.s32 @!p0 $0x1C03  }
0x124: {  	[timem:s3], [sflag:s2] =	dma.local @!p0 [hbm:s0], s1  }
0x125: {  	s0 =	simm.s32 @!p0 $0x3  }
0x126: {  	_ =	swait.ge @!p0 [sflag:s0], s1  }
0x127: {  	s1 =	ssub.s32 @!p0 $0x0, s1;
	[sflag:s0] =	ssyncset.done @!p0 $0x0  }
0x128: {  	[sflag:s0] =	ssyncadd.s32 @!p0 s1  }
0x129: {  	[bflag:$0x3] =	sbarrier.arrive $0xFFFF  }
0x12a: {  	_ =	shalt  }

</sc_bundles>
